<compile_context>
chip_gen: v7x
topology: tpu7x:2x2x1
jax: 0.10.2.dev20260603
libtpu: 0.0.44.dev20260713+nightly
codegen_flags: <defaults>
</compile_context>

<pallas_src>
import functools

import jax
import jax.numpy as jnp
from jax import lax
from jax.experimental import pallas as pl
from jax.experimental.pallas import tpu as pltpu
from jax.experimental.pallas import tpu_sc as plsc

B, T, VOCAB, D, UNITS = 128, 200, 100000, 256, 1024
TB = 8
NW = 32
T1 = 24
T2 = T - T1


def _gather_body(tok_per_w, chunk, idx_hbm, table_hbm, out_hbm,
                 idx_v, rows0, rows1, gsem0, gsem1, ssem0, ssem1):
    n_chunks = tok_per_w // chunk
    wid = lax.axis_index("s") * 2 + lax.axis_index("c")
    base = wid * tok_per_w
    pltpu.sync_copy(idx_hbm.at[pl.ds(base, tok_per_w)], idx_v)
    rows = (rows0, rows1)
    gsem = (gsem0, gsem1)
    ssem = (ssem0, ssem1)
    pending = [None, None]
    for c in range(n_chunks):
        b = c % 2
        if pending[b] is not None:
            pending[b].wait()
        pltpu.async_copy(
            table_hbm.at[idx_v.at[pl.ds(c * chunk, chunk)]], rows[b], gsem[b]
        ).wait()
        pending[b] = pltpu.async_copy(
            rows[b], out_hbm.at[pl.ds(base + c * chunk, chunk)], ssem[b]
        )
    for b in range(2):
        if pending[b] is not None:
            pending[b].wait()


def _sc_gather(idx, table, n_tok, chunk):
    tok_per_w = n_tok // NW
    mesh = plsc.VectorSubcoreMesh(core_axis_name="c", subcore_axis_name="s")
    return pl.kernel(
        functools.partial(_gather_body, tok_per_w, chunk),
        mesh=mesh,
        out_type=jax.ShapeDtypeStruct((n_tok, D), jnp.float32),
        scratch_types=[
            pltpu.VMEM((tok_per_w,), jnp.int32),
            pltpu.VMEM((chunk, D), jnp.float32),
            pltpu.VMEM((chunk, D), jnp.float32),
            pltpu.SemaphoreType.DMA,
            pltpu.SemaphoreType.DMA,
            pltpu.SemaphoreType.DMA,
            pltpu.SemaphoreType.DMA,
        ],
    )(idx, table)


def _gru_body(has_prev, *refs):
    if has_prev:
        x_ref, w_ref, r_ref, b_ref, h0_ref, _seq_in, seq_ref, hout_ref, h_ref = refs
    else:
        x_ref, w_ref, r_ref, b_ref, h0_ref, seq_ref, hout_ref, h_ref = refs
    t = pl.program_id(0)

    @pl.when(t == 0)
    def _():
        h_ref[...] = h0_ref[...]

    b0 = b_ref[0:1, :]
    b1 = b_ref[1:2, :]
    xall = x_ref[...].reshape(TB * B, D).astype(jnp.bfloat16)
    xp_all = jnp.dot(xall, w_ref[...], preferred_element_type=jnp.float32) + b0
    h = h_ref[...]
    U2 = 2 * UNITS
    for j in range(TB):
        xp = xp_all[j * B:(j + 1) * B, :]
        rp = jnp.dot(h.astype(jnp.bfloat16), r_ref[...],
                     preferred_element_type=jnp.float32) + b1
        z = jax.nn.sigmoid(xp[:, :UNITS] + rp[:, :UNITS])
        r = jax.nn.sigmoid(xp[:, UNITS:U2] + rp[:, UNITS:U2])
        hh = jnp.tanh(xp[:, U2:] + r * rp[:, U2:])
        h = hh + z * (h - hh)
        seq_ref[:, j, :] = h
    h_ref[...] = h
    hout_ref[...] = h


def _gru_stage(x_tbd, w, r, b, h0, seq_prev, t_len, t_off):
    has_prev = seq_prev is not None
    in_specs = [
        pl.BlockSpec((TB, B, D), lambda t: (t, 0, 0)),
        pl.BlockSpec((D, 3 * UNITS), lambda t: (0, 0)),
        pl.BlockSpec((UNITS, 3 * UNITS), lambda t: (0, 0)),
        pl.BlockSpec((2, 3 * UNITS), lambda t: (0, 0)),
        pl.BlockSpec((B, UNITS), lambda t: (0, 0)),
    ]
    args = [x_tbd, w, r, b, h0]
    if has_prev:
        in_specs.append(pl.BlockSpec(memory_space=pl.ANY))
        args.append(seq_prev)
    off = t_off // TB
    return pl.pallas_call(
        functools.partial(_gru_body, has_prev),
        grid=(t_len // TB,),
        in_specs=in_specs,
        out_specs=[
            pl.BlockSpec((B, TB, UNITS), lambda t: (0, t + off, 0)),
            pl.BlockSpec((B, UNITS), lambda t: (0, 0)),
        ],
        out_shape=[
            jax.ShapeDtypeStruct((B, T, UNITS), jnp.float32),
            jax.ShapeDtypeStruct((B, UNITS), jnp.float32),
        ],
        scratch_shapes=[pltpu.VMEM((B, UNITS), jnp.float32)],
        input_output_aliases={5: 0} if has_prev else {},
    )(*args)


def kernel(inputs, training, embedding, kernel, recurrent_kernel, bias):
    wb = kernel.astype(jnp.bfloat16)
    rb = recurrent_kernel.astype(jnp.bfloat16)
    idx = inputs.T.reshape(-1).astype(jnp.int32)
    idx1, idx2 = idx[:T1 * B], idx[T1 * B:]
    x1 = _sc_gather(idx1, embedding, T1 * B, 96)
    x2 = _sc_gather(idx2, embedding, T2 * B, 88)
    h0 = jnp.zeros((B, UNITS), dtype=jnp.float32)
    seq1, h1 = _gru_stage(x1.reshape(T1, B, D), wb, rb, bias, h0, None, T1, 0)
    seq2, h2 = _gru_stage(x2.reshape(T2, B, D), wb, rb, bias, h1, seq1, T2, T1)
    return seq2, h2

# --- scband reference (transcript-rebuilt; emitter-appended) ---
"""Pipeline reference for scband-encoder-63144609185814 (READ-ONLY COPY).

The authoritative reference and input builder live on the scoring server;
editing this copy changes nothing except your own understanding.
"""

import jax, jax.numpy as jnp
import numpy as np

B, T, VOCAB, D, UNITS = 128, 200, 100000, 256, 1024

def setup_inputs(seed: int = 0):
    key = jax.random.key(seed)
    ks = jax.random.split(key, 5)
    inputs = jax.random.randint(ks[0], (B, T), 0, VOCAB)
    embedding = jax.random.normal(ks[1], (VOCAB, D), dtype=jnp.float32) * 0.05
    kernel = jax.random.normal(ks[2], (D, 3 * UNITS), dtype=jnp.float32) * (1.0 / np.sqrt(D))
    recurrent_kernel = jax.random.normal(ks[3], (UNITS, 3 * UNITS), dtype=jnp.float32) * (1.0 / np.sqrt(UNITS))
    bias = jnp.zeros((2, 3 * UNITS), dtype=jnp.float32)
    return {"inputs": inputs, "training": False, "embedding": embedding, "kernel": kernel, "recurrent_kernel": recurrent_kernel, "bias": bias}

def _gru_forward(inputs, embedding, kernel, recurrent_kernel, bias):
    # Keras Embedding lookup
    x = jnp.take(embedding, inputs, axis=0)  # [B, T, D]
    units = recurrent_kernel.shape[0]
    # Keras GRU (v2, reset_after=True): input projections precomputed for all timesteps
    xp = jnp.einsum('btd,dk->btk', x, kernel) + bias[0]  # [B, T, 3U]
    xp_t = jnp.transpose(xp, (1, 0, 2))  # [T, B, 3U]
    h0 = jnp.zeros((inputs.shape[0], units), dtype=jnp.float32)
    def step(h, xt):
        rp = jnp.dot(h, recurrent_kernel) + bias[1]
        xz, xr, xh = jnp.split(xt, 3, axis=-1)
        rz, rr, rh = jnp.split(rp, 3, axis=-1)
        z = jax.nn.sigmoid(xz + rz)
        r = jax.nn.sigmoid(xr + rr)
        hh = jnp.tanh(xh + r * rh)
        hn = z * h + (1.0 - z) * hh
        return hn, hn
    h_final, seq = jax.lax.scan(step, h0, xp_t)
    outputs = jnp.transpose(seq, (1, 0, 2))  # [B, T, U] (return_sequences=True)
    return outputs, h_final

def reference(inputs, training, embedding, kernel, recurrent_kernel, bias):
    outputs, h_final = _gru_forward(inputs, embedding, kernel, recurrent_kernel, bias)
    # original returns (outputs, states) where states = [final_state]
    return (outputs, h_final)

if __name__ == "__main__":
    import jax
    _d = setup_inputs()
    print(jax.jit(kernel)(*tuple(_d.values())))

</pallas_src>

<mosaic_0001>
#map = affine_map<(d0, d1) -> (0)>
#map1 = affine_map<(d0, d1) -> (0, 0)>
module attributes {stable_mosaic.version = 14 : i64} {
  func.func @_gather_body(%arg0: i32, %arg1: i32, %arg2: memref<3072xi32, #tpu.memory_space<hbm>>, %arg3: memref<100000x256xf32, #tpu.memory_space<hbm>>, %arg4: memref<3072x256xf32, #tpu.memory_space<hbm>>, %arg5: memref<96xi32, #tpu.memory_space<vmem>>, %arg6: memref<96x256xf32, #tpu.memory_space<vmem>>, %arg7: memref<96x256xf32, #tpu.memory_space<vmem>>, %arg8: memref<!tpu.dma_semaphore, #tpu.memory_space<semaphore_mem>>, %arg9: memref<!tpu.dma_semaphore, #tpu.memory_space<semaphore_mem>>, %arg10: memref<!tpu.dma_semaphore, #tpu.memory_space<semaphore_mem>>, %arg11: memref<!tpu.dma_semaphore, #tpu.memory_space<semaphore_mem>>) attributes {dimension_semantics = [#tpu.dimension_semantics<core_parallel>, #tpu.dimension_semantics<subcore_parallel>], iteration_bounds = array<i64: 2, 16>, scalar_prefetch = 0 : i64, scratch_operands = 7 : i64, tpu.core_type = #tpu.core_type<sc_vector_subcore>, window_params = [{transform_indices = #map}, {transform_indices = #map1}, {transform_indices = #map1}]} {
    %mul3A = arith.constant 2 : i32
    %mul3A_0 = arith.muli %arg1, %mul3A : i32
    %add3A = arith.addi %mul3A_0, %arg0 : i32
    %mul3A_1 = arith.constant 96 : i32
    %mul3A_2 = arith.muli %add3A, %mul3A_1 : i32
    "tpu.region"() ({
      %run_scoped3A = tpu.sem_alloc : memref<!tpu.dma_semaphore, #tpu.memory_space<semaphore_mem>>
      %dma_start3A_21 = tpu.memref_slice %arg2[%mul3A_2] : memref<3072xi32, #tpu.memory_space<hbm>> -> memref<96xi32, #tpu.memory_space<hbm>>
      %dma_start3A_22 = tpu.memref_slice %arg2[%mul3A_2] : memref<3072xi32, #tpu.memory_space<hbm>> -> memref<96xi32, #tpu.memory_space<hbm>>
      tpu.enqueue_dma source(%dma_start3A_22 : memref<96xi32, #tpu.memory_space<hbm>>) target(%arg5 : memref<96xi32, #tpu.memory_space<vmem>>) target_semaphore(%run_scoped3A : memref<!tpu.dma_semaphore, #tpu.memory_space<semaphore_mem>>)
      %dma_wait3A_23 = tpu.memref_slice %arg2[%mul3A_2] : memref<3072xi32, #tpu.memory_space<hbm>> -> memref<96xi32, #tpu.memory_space<hbm>>
      %dma_wait3A_24 = tpu.memref_slice %arg2[%mul3A_2] : memref<3072xi32, #tpu.memory_space<hbm>> -> memref<96xi32, #tpu.memory_space<hbm>>
      tpu.wait_dma2 semaphore(%run_scoped3A : memref<!tpu.dma_semaphore, #tpu.memory_space<semaphore_mem>>) src(%dma_wait3A_24 : memref<96xi32, #tpu.memory_space<hbm>>) dst(%arg5 : memref<96xi32, #tpu.memory_space<vmem>>)
      tpu.yield
    }) : () -> ()
    %dma_start3A = arith.constant 0 : i32
    %dma_start3A_3 = tpu.memref_slice %arg5[%dma_start3A] : memref<96xi32, #tpu.memory_space<vmem>> -> memref<96xi32, #tpu.memory_space<vmem>>
    %dma_start3A_4 = arith.constant 0 : i32
    %dma_start3A_5 = arith.constant 0 : i32
    %dma_start3A_6 = tpu.memref_slice %arg3[%dma_start3A_4, %dma_start3A_5] : memref<100000x256xf32, #tpu.memory_space<hbm>> -> memref<100000x256xf32, #tpu.memory_space<hbm>>
    tpu.enqueue_indirect_dma source(%dma_start3A_6 : memref<100000x256xf32, #tpu.memory_space<hbm>>) target(%arg6 : memref<96x256xf32, #tpu.memory_space<vmem>>) offsets(%dma_start3A_3 : memref<96xi32, #tpu.memory_space<vmem>>) semaphore(%arg8 : memref<!tpu.dma_semaphore, #tpu.memory_space<semaphore_mem>>)
    %dma_wait3A = arith.constant 0 : i32
    %dma_wait3A_7 = tpu.memref_slice %arg5[%dma_wait3A] : memref<96xi32, #tpu.memory_space<vmem>> -> memref<96xi32, #tpu.memory_space<vmem>>
    %dma_wait3A_8 = arith.constant 0 : i32
    %dma_wait3A_9 = arith.constant 0 : i32
    %dma_wait3A_10 = tpu.memref_slice %arg3[%dma_wait3A_8, %dma_wait3A_9] : memref<100000x256xf32, #tpu.memory_space<hbm>> -> memref<100000x256xf32, #tpu.memory_space<hbm>>
    tpu.wait_indirect_dma semaphore(%arg8 : memref<!tpu.dma_semaphore, #tpu.memory_space<semaphore_mem>>) src(%dma_wait3A_10 : memref<100000x256xf32, #tpu.memory_space<hbm>>) dst(%arg6 : memref<96x256xf32, #tpu.memory_space<vmem>>)
    %add3A_11 = arith.constant 0 : i32
    %add3A_12 = arith.addi %mul3A_2, %add3A_11 : i32
    %dma_start3A_13 = arith.constant 0 : i32
    %dma_start3A_14 = tpu.memref_slice %arg4[%add3A_12, %dma_start3A_13] : memref<3072x256xf32, #tpu.memory_space<hbm>> -> memref<96x256xf32, #tpu.memory_space<hbm>>
    %dma_start3A_15 = arith.constant 0 : i32
    %dma_start3A_16 = tpu.memref_slice %arg4[%add3A_12, %dma_start3A_15] : memref<3072x256xf32, #tpu.memory_space<hbm>> -> memref<96x256xf32, #tpu.memory_space<hbm>>
    tpu.enqueue_dma source(%arg6 : memref<96x256xf32, #tpu.memory_space<vmem>>) target(%dma_start3A_16 : memref<96x256xf32, #tpu.memory_space<hbm>>) target_semaphore(%arg10 : memref<!tpu.dma_semaphore, #tpu.memory_space<semaphore_mem>>)
    %dma_wait3A_17 = arith.constant 0 : i32
    %dma_wait3A_18 = tpu.memref_slice %arg4[%add3A_12, %dma_wait3A_17] : memref<3072x256xf32, #tpu.memory_space<hbm>> -> memref<96x256xf32, #tpu.memory_space<hbm>>
    %dma_wait3A_19 = arith.constant 0 : i32
    %dma_wait3A_20 = tpu.memref_slice %arg4[%add3A_12, %dma_wait3A_19] : memref<3072x256xf32, #tpu.memory_space<hbm>> -> memref<96x256xf32, #tpu.memory_space<hbm>>
    tpu.wait_dma2 semaphore(%arg10 : memref<!tpu.dma_semaphore, #tpu.memory_space<semaphore_mem>>) src(%arg6 : memref<96x256xf32, #tpu.memory_space<vmem>>) dst(%dma_wait3A_20 : memref<96x256xf32, #tpu.memory_space<hbm>>)
    return
  }
}

#map = affine_map<(d0, d1) -> (0)>
#map1 = affine_map<(d0, d1) -> (0, 0)>
module attributes {stable_mosaic.version = 14 : i64} {
  func.func @_gather_body(%arg0: i32, %arg1: i32, %arg2: memref<22528xi32, #tpu.memory_space<hbm>>, %arg3: memref<100000x256xf32, #tpu.memory_space<hbm>>, %arg4: memref<22528x256xf32, #tpu.memory_space<hbm>>, %arg5: memref<704xi32, #tpu.memory_space<vmem>>, %arg6: memref<88x256xf32, #tpu.memory_space<vmem>>, %arg7: memref<88x256xf32, #tpu.memory_space<vmem>>, %arg8: memref<!tpu.dma_semaphore, #tpu.memory_space<semaphore_mem>>, %arg9: memref<!tpu.dma_semaphore, #tpu.memory_space<semaphore_mem>>, %arg10: memref<!tpu.dma_semaphore, #tpu.memory_space<semaphore_mem>>, %arg11: memref<!tpu.dma_semaphore, #tpu.memory_space<semaphore_mem>>) attributes {dimension_semantics = [#tpu.dimension_semantics<core_parallel>, #tpu.dimension_semantics<subcore_parallel>], iteration_bounds = array<i64: 2, 16>, scalar_prefetch = 0 : i64, scratch_operands = 7 : i64, tpu.core_type = #tpu.core_type<sc_vector_subcore>, window_params = [{transform_indices = #map}, {transform_indices = #map1}, {transform_indices = #map1}]} {
    %mul3A = arith.constant 2 : i32
    %mul3A_0 = arith.muli %arg1, %mul3A : i32
    %add3A = arith.addi %mul3A_0, %arg0 : i32
    %mul3A_1 = arith.constant 704 : i32
    %mul3A_2 = arith.muli %add3A, %mul3A_1 : i32
    "tpu.region"() ({
      %run_scoped3A = tpu.sem_alloc : memref<!tpu.dma_semaphore, #tpu.memory_space<semaphore_mem>>
      %dma_start3A_161 = tpu.memref_slice %arg2[%mul3A_2] : memref<22528xi32, #tpu.memory_space<hbm>> -> memref<704xi32, #tpu.memory_space<hbm>>
      %dma_start3A_162 = tpu.memref_slice %arg2[%mul3A_2] : memref<22528xi32, #tpu.memory_space<hbm>> -> memref<704xi32, #tpu.memory_space<hbm>>
      tpu.enqueue_dma source(%dma_start3A_162 : memref<704xi32, #tpu.memory_space<hbm>>) target(%arg5 : memref<704xi32, #tpu.memory_space<vmem>>) target_semaphore(%run_scoped3A : memref<!tpu.dma_semaphore, #tpu.memory_space<semaphore_mem>>)
      %dma_wait3A_163 = tpu.memref_slice %arg2[%mul3A_2] : memref<22528xi32, #tpu.memory_space<hbm>> -> memref<704xi32, #tpu.memory_space<hbm>>
      %dma_wait3A_164 = tpu.memref_slice %arg2[%mul3A_2] : memref<22528xi32, #tpu.memory_space<hbm>> -> memref<704xi32, #tpu.memory_space<hbm>>
      tpu.wait_dma2 semaphore(%run_scoped3A : memref<!tpu.dma_semaphore, #tpu.memory_space<semaphore_mem>>) src(%dma_wait3A_164 : memref<704xi32, #tpu.memory_space<hbm>>) dst(%arg5 : memref<704xi32, #tpu.memory_space<vmem>>)
      tpu.yield
    }) : () -> ()
    %dma_start3A = arith.constant 0 : i32
    %dma_start3A_3 = tpu.memref_slice %arg5[%dma_start3A] : memref<704xi32, #tpu.memory_space<vmem>> -> memref<88xi32, #tpu.memory_space<vmem>>
    %dma_start3A_4 = arith.constant 0 : i32
    %dma_start3A_5 = arith.constant 0 : i32
    %dma_start3A_6 = tpu.memref_slice %arg3[%dma_start3A_4, %dma_start3A_5] : memref<100000x256xf32, #tpu.memory_space<hbm>> -> memref<100000x256xf32, #tpu.memory_space<hbm>>
    tpu.enqueue_indirect_dma source(%dma_start3A_6 : memref<100000x256xf32, #tpu.memory_space<hbm>>) target(%arg6 : memref<88x256xf32, #tpu.memory_space<vmem>>) offsets(%dma_start3A_3 : memref<88xi32, #tpu.memory_space<vmem>>) semaphore(%arg8 : memref<!tpu.dma_semaphore, #tpu.memory_space<semaphore_mem>>)
    %dma_wait3A = arith.constant 0 : i32
    %dma_wait3A_7 = tpu.memref_slice %arg5[%dma_wait3A] : memref<704xi32, #tpu.memory_space<vmem>> -> memref<88xi32, #tpu.memory_space<vmem>>
    %dma_wait3A_8 = arith.constant 0 : i32
    %dma_wait3A_9 = arith.constant 0 : i32
    %dma_wait3A_10 = tpu.memref_slice %arg3[%dma_wait3A_8, %dma_wait3A_9] : memref<100000x256xf32, #tpu.memory_space<hbm>> -> memref<100000x256xf32, #tpu.memory_space<hbm>>
    tpu.wait_indirect_dma semaphore(%arg8 : memref<!tpu.dma_semaphore, #tpu.memory_space<semaphore_mem>>) src(%dma_wait3A_10 : memref<100000x256xf32, #tpu.memory_space<hbm>>) dst(%arg6 : memref<88x256xf32, #tpu.memory_space<vmem>>)
    %add3A_11 = arith.constant 0 : i32
    %add3A_12 = arith.addi %mul3A_2, %add3A_11 : i32
    %dma_start3A_13 = arith.constant 0 : i32
    %dma_start3A_14 = tpu.memref_slice %arg4[%add3A_12, %dma_start3A_13] : memref<22528x256xf32, #tpu.memory_space<hbm>> -> memref<88x256xf32, #tpu.memory_space<hbm>>
    %dma_start3A_15 = arith.constant 0 : i32
    %dma_start3A_16 = tpu.memref_slice %arg4[%add3A_12, %dma_start3A_15] : memref<22528x256xf32, #tpu.memory_space<hbm>> -> memref<88x256xf32, #tpu.memory_space<hbm>>
    tpu.enqueue_dma source(%arg6 : memref<88x256xf32, #tpu.memory_space<vmem>>) target(%dma_start3A_16 : memref<88x256xf32, #tpu.memory_space<hbm>>) target_semaphore(%arg10 : memref<!tpu.dma_semaphore, #tpu.memory_space<semaphore_mem>>)
    %dma_start3A_17 = arith.constant 88 : i32
    %dma_start3A_18 = tpu.memref_slice %arg5[%dma_start3A_17] : memref<704xi32, #tpu.memory_space<vmem>> -> memref<88xi32, #tpu.memory_space<vmem>>
    %dma_start3A_19 = arith.constant 0 : i32
    %dma_start3A_20 = arith.constant 0 : i32
    %dma_start3A_21 = tpu.memref_slice %arg3[%dma_start3A_19, %dma_start3A_20] : memref<100000x256xf32, #tpu.memory_space<hbm>> -> memref<100000x256xf32, #tpu.memory_space<hbm>>
    tpu.enqueue_indirect_dma source(%dma_start3A_21 : memref<100000x256xf32, #tpu.memory_space<hbm>>) target(%arg7 : memref<88x256xf32, #tpu.memory_space<vmem>>) offsets(%dma_start3A_18 : memref<88xi32, #tpu.memory_space<vmem>>) semaphore(%arg9 : memref<!tpu.dma_semaphore, #tpu.memory_space<semaphore_mem>>)
    %dma_wait3A_22 = arith.constant 88 : i32
    %dma_wait3A_23 = tpu.memref_slice %arg5[%dma_wait3A_22] : memref<704xi32, #tpu.memory_space<vmem>> -> memref<88xi32, #tpu.memory_space<vmem>>
    %dma_wait3A_24 = arith.constant 0 : i32
    %dma_wait3A_25 = arith.constant 0 : i32
    %dma_wait3A_26 = tpu.memref_slice %arg3[%dma_wait3A_24, %dma_wait3A_25] : memref<100000x256xf32, #tpu.memory_space<hbm>> -> memref<100000x256xf32, #tpu.memory_space<hbm>>
    tpu.wait_indirect_dma semaphore(%arg9 : memref<!tpu.dma_semaphore, #tpu.memory_space<semaphore_mem>>) src(%dma_wait3A_26 : memref<100000x256xf32, #tpu.memory_space<hbm>>) dst(%arg7 : memref<88x256xf32, #tpu.memory_space<vmem>>)
    %add3A_27 = arith.constant 88 : i32
    %add3A_28 = arith.addi %mul3A_2, %add3A_27 : i32
    %dma_start3A_29 = arith.constant 0 : i32
    %dma_start3A_30 = tpu.memref_slice %arg4[%add3A_28, %dma_start3A_29] : memref<22528x256xf32, #tpu.memory_space<hbm>> -> memref<88x256xf32, #tpu.memory_space<hbm>>
    %dma_start3A_31 = arith.constant 0 : i32
    %dma_start3A_32 = tpu.memref_slice %arg4[%add3A_28, %dma_start3A_31] : memref<22528x256xf32, #tpu.memory_space<hbm>> -> memref<88x256xf32, #tpu.memory_space<hbm>>
    tpu.enqueue_dma source(%arg7 : memref<88x256xf32, #tpu.memory_space<vmem>>) target(%dma_start3A_32 : memref<88x256xf32, #tpu.memory_space<hbm>>) target_semaphore(%arg11 : memref<!tpu.dma_semaphore, #tpu.memory_space<semaphore_mem>>)
    %dma_wait3A_33 = arith.constant 0 : i32
    %dma_wait3A_34 = tpu.memref_slice %arg4[%add3A_12, %dma_wait3A_33] : memref<22528x256xf32, #tpu.memory_space<hbm>> -> memref<88x256xf32, #tpu.memory_space<hbm>>
    %dma_wait3A_35 = arith.constant 0 : i32
    %dma_wait3A_36 = tpu.memref_slice %arg4[%add3A_12, %dma_wait3A_35] : memref<22528x256xf32, #tpu.memory_space<hbm>> -> memref<88x256xf32, #tpu.memory_space<hbm>>
    tpu.wait_dma2 semaphore(%arg10 : memref<!tpu.dma_semaphore, #tpu.memory_space<semaphore_mem>>) src(%arg6 : memref<88x256xf32, #tpu.memory_space<vmem>>) dst(%dma_wait3A_36 : memref<88x256xf32, #tpu.memory_space<hbm>>)
    %dma_start3A_37 = arith.constant 176 : i32
    %dma_start3A_38 = tpu.memref_slice %arg5[%dma_start3A_37] : memref<704xi32, #tpu.memory_space<vmem>> -> memref<88xi32, #tpu.memory_space<vmem>>
    %dma_start3A_39 = arith.constant 0 : i32
    %dma_start3A_40 = arith.constant 0 : i32
    %dma_start3A_41 = tpu.memref_slice %arg3[%dma_start3A_39, %dma_start3A_40] : memref<100000x256xf32, #tpu.memory_space<hbm>> -> memref<100000x256xf32, #tpu.memory_space<hbm>>
    tpu.enqueue_indirect_dma source(%dma_start3A_41 : memref<100000x256xf32, #tpu.memory_space<hbm>>) target(%arg6 : memref<88x256xf32, #tpu.memory_space<vmem>>) offsets(%dma_start3A_38 : memref<88xi32, #tpu.memory_space<vmem>>) semaphore(%arg8 : memref<!tpu.dma_semaphore, #tpu.memory_space<semaphore_mem>>)
    %dma_wait3A_42 = arith.constant 176 : i32
    %dma_wait3A_43 = tpu.memref_slice %arg5[%dma_wait3A_42] : memref<704xi32, #tpu.memory_space<vmem>> -> memref<88xi32, #tpu.memory_space<vmem>>
    %dma_wait3A_44 = arith.constant 0 : i32
    %dma_wait3A_45 = arith.constant 0 : i32
    %dma_wait3A_46 = tpu.memref_slice %arg3[%dma_wait3A_44, %dma_wait3A_45] : memref<100000x256xf32, #tpu.memory_space<hbm>> -> memref<100000x256xf32, #tpu.memory_space<hbm>>
    tpu.wait_indirect_dma semaphore(%arg8 : memref<!tpu.dma_semaphore, #tpu.memory_space<semaphore_mem>>) src(%dma_wait3A_46 : memref<100000x256xf32, #tpu.memory_space<hbm>>) dst(%arg6 : memref<88x256xf32, #tpu.memory_space<vmem>>)
    %add3A_47 = arith.constant 176 : i32
    %add3A_48 = arith.addi %mul3A_2, %add3A_47 : i32
    %dma_start3A_49 = arith.constant 0 : i32
    %dma_start3A_50 = tpu.memref_slice %arg4[%add3A_48, %dma_start3A_49] : memref<22528x256xf32, #tpu.memory_space<hbm>> -> memref<88x256xf32, #tpu.memory_space<hbm>>
    %dma_start3A_51 = arith.constant 0 : i32
    %dma_start3A_52 = tpu.memref_slice %arg4[%add3A_48, %dma_start3A_51] : memref<22528x256xf32, #tpu.memory_space<hbm>> -> memref<88x256xf32, #tpu.memory_space<hbm>>
    tpu.enqueue_dma source(%arg6 : memref<88x256xf32, #tpu.memory_space<vmem>>) target(%dma_start3A_52 : memref<88x256xf32, #tpu.memory_space<hbm>>) target_semaphore(%arg10 : memref<!tpu.dma_semaphore, #tpu.memory_space<semaphore_mem>>)
    %dma_wait3A_53 = arith.constant 0 : i32
    %dma_wait3A_54 = tpu.memref_slice %arg4[%add3A_28, %dma_wait3A_53] : memref<22528x256xf32, #tpu.memory_space<hbm>> -> memref<88x256xf32, #tpu.memory_space<hbm>>
    %dma_wait3A_55 = arith.constant 0 : i32
    %dma_wait3A_56 = tpu.memref_slice %arg4[%add3A_28, %dma_wait3A_55] : memref<22528x256xf32, #tpu.memory_space<hbm>> -> memref<88x256xf32, #tpu.memory_space<hbm>>
    tpu.wait_dma2 semaphore(%arg11 : memref<!tpu.dma_semaphore, #tpu.memory_space<semaphore_mem>>) src(%arg7 : memref<88x256xf32, #tpu.memory_space<vmem>>) dst(%dma_wait3A_56 : memref<88x256xf32, #tpu.memory_space<hbm>>)
    %dma_start3A_57 = arith.constant 264 : i32
    %dma_start3A_58 = tpu.memref_slice %arg5[%dma_start3A_57] : memref<704xi32, #tpu.memory_space<vmem>> -> memref<88xi32, #tpu.memory_space<vmem>>
    %dma_start3A_59 = arith.constant 0 : i32
    %dma_start3A_60 = arith.constant 0 : i32
    %dma_start3A_61 = tpu.memref_slice %arg3[%dma_start3A_59, %dma_start3A_60] : memref<100000x256xf32, #tpu.memory_space<hbm>> -> memref<100000x256xf32, #tpu.memory_space<hbm>>
    tpu.enqueue_indirect_dma source(%dma_start3A_61 : memref<100000x256xf32, #tpu.memory_space<hbm>>) target(%arg7 : memref<88x256xf32, #tpu.memory_space<vmem>>) offsets(%dma_start3A_58 : memref<88xi32, #tpu.memory_space<vmem>>) semaphore(%arg9 : memref<!tpu.dma_semaphore, #tpu.memory_space<semaphore_mem>>)
    %dma_wait3A_62 = arith.constant 264 : i32
    %dma_wait3A_63 = tpu.memref_slice %arg5[%dma_wait3A_62] : memref<704xi32, #tpu.memory_space<vmem>> -> memref<88xi32, #tpu.memory_space<vmem>>
    %dma_wait3A_64 = arith.constant 0 : i32
    %dma_wait3A_65 = arith.constant 0 : i32
    %dma_wait3A_66 = tpu.memref_slice %arg3[%dma_wait3A_64, %dma_wait3A_65] : memref<100000x256xf32, #tpu.memory_space<hbm>> -> memref<100000x256xf32, #tpu.memory_space<hbm>>
    tpu.wait_indirect_dma semaphore(%arg9 : memref<!tpu.dma_semaphore, #tpu.memory_space<semaphore_mem>>) src(%dma_wait3A_66 : memref<100000x256xf32, #tpu.memory_space<hbm>>) dst(%arg7 : memref<88x256xf32, #tpu.memory_space<vmem>>)
    %add3A_67 = arith.constant 264 : i32
    %add3A_68 = arith.addi %mul3A_2, %add3A_67 : i32
    %dma_start3A_69 = arith.constant 0 : i32
    %dma_start3A_70 = tpu.memref_slice %arg4[%add3A_68, %dma_start3A_69] : memref<22528x256xf32, #tpu.memory_space<hbm>> -> memref<88x256xf32, #tpu.memory_space<hbm>>
    %dma_start3A_71 = arith.constant 0 : i32
    %dma_start3A_72 = tpu.memref_slice %arg4[%add3A_68, %dma_start3A_71] : memref<22528x256xf32, #tpu.memory_space<hbm>> -> memref<88x256xf32, #tpu.memory_space<hbm>>
    tpu.enqueue_dma source(%arg7 : memref<88x256xf32, #tpu.memory_space<vmem>>) target(%dma_start3A_72 : memref<88x256xf32, #tpu.memory_space<hbm>>) target_semaphore(%arg11 : memref<!tpu.dma_semaphore, #tpu.memory_space<semaphore_mem>>)
    %dma_wait3A_73 = arith.constant 0 : i32
    %dma_wait3A_74 = tpu.memref_slice %arg4[%add3A_48, %dma_wait3A_73] : memref<22528x256xf32, #tpu.memory_space<hbm>> -> memref<88x256xf32, #tpu.memory_space<hbm>>
    %dma_wait3A_75 = arith.constant 0 : i32
    %dma_wait3A_76 = tpu.memref_slice %arg4[%add3A_48, %dma_wait3A_75] : memref<22528x256xf32, #tpu.memory_space<hbm>> -> memref<88x256xf32, #tpu.memory_space<hbm>>
    tpu.wait_dma2 semaphore(%arg10 : memref<!tpu.dma_semaphore, #tpu.memory_space<semaphore_mem>>) src(%arg6 : memref<88x256xf32, #tpu.memory_space<vmem>>) dst(%dma_wait3A_76 : memref<88x256xf32, #tpu.memory_space<hbm>>)
    %dma_start3A_77 = arith.constant 352 : i32
    %dma_start3A_78 = tpu.memref_slice %arg5[%dma_start3A_77] : memref<704xi32, #tpu.memory_space<vmem>> -> memref<88xi32, #tpu.memory_space<vmem>>
    %dma_start3A_79 = arith.constant 0 : i32
    %dma_start3A_80 = arith.constant 0 : i32
    %dma_start3A_81 = tpu.memref_slice %arg3[%dma_start3A_79, %dma_start3A_80] : memref<100000x256xf32, #tpu.memory_space<hbm>> -> memref<100000x256xf32, #tpu.memory_space<hbm>>
    tpu.enqueue_indirect_dma source(%dma_start3A_81 : memref<100000x256xf32, #tpu.memory_space<hbm>>) target(%arg6 : memref<88x256xf32, #tpu.memory_space<vmem>>) offsets(%dma_start3A_78 : memref<88xi32, #tpu.memory_space<vmem>>) semaphore(%arg8 : memref<!tpu.dma_semaphore, #tpu.memory_space<semaphore_mem>>)
    %dma_wait3A_82 = arith.constant 352 : i32
    %dma_wait3A_83 = tpu.memref_slice %arg5[%dma_wait3A_82] : memref<704xi32, #tpu.memory_space<vmem>> -> memref<88xi32, #tpu.memory_space<vmem>>
    %dma_wait3A_84 = arith.constant 0 : i32
    %dma_wait3A_85 = arith.constant 0 : i32
    %dma_wait3A_86 = tpu.memref_slice %arg3[%dma_wait3A_84, %dma_wait3A_85] : memref<100000x256xf32, #tpu.memory_space<hbm>> -> memref<100000x256xf32, #tpu.memory_space<hbm>>
    tpu.wait_indirect_dma semaphore(%arg8 : memref<!tpu.dma_semaphore, #tpu.memory_space<semaphore_mem>>) src(%dma_wait3A_86 : memref<100000x256xf32, #tpu.memory_space<hbm>>) dst(%arg6 : memref<88x256xf32, #tpu.memory_space<vmem>>)
    %add3A_87 = arith.constant 352 : i32
    %add3A_88 = arith.addi %mul3A_2, %add3A_87 : i32
    %dma_start3A_89 = arith.constant 0 : i32
    %dma_start3A_90 = tpu.memref_slice %arg4[%add3A_88, %dma_start3A_89] : memref<22528x256xf32, #tpu.memory_space<hbm>> -> memref<88x256xf32, #tpu.memory_space<hbm>>
    %dma_start3A_91 = arith.constant 0 : i32
    %dma_start3A_92 = tpu.memref_slice %arg4[%add3A_88, %dma_start3A_91] : memref<22528x256xf32, #tpu.memory_space<hbm>> -> memref<88x256xf32, #tpu.memory_space<hbm>>
    tpu.enqueue_dma source(%arg6 : memref<88x256xf32, #tpu.memory_space<vmem>>) target(%dma_start3A_92 : memref<88x256xf32, #tpu.memory_space<hbm>>) target_semaphore(%arg10 : memref<!tpu.dma_semaphore, #tpu.memory_space<semaphore_mem>>)
    %dma_wait3A_93 = arith.constant 0 : i32
    %dma_wait3A_94 = tpu.memref_slice %arg4[%add3A_68, %dma_wait3A_93] : memref<22528x256xf32, #tpu.memory_space<hbm>> -> memref<88x256xf32, #tpu.memory_space<hbm>>
    %dma_wait3A_95 = arith.constant 0 : i32
    %dma_wait3A_96 = tpu.memref_slice %arg4[%add3A_68, %dma_wait3A_95] : memref<22528x256xf32, #tpu.memory_space<hbm>> -> memref<88x256xf32, #tpu.memory_space<hbm>>
    tpu.wait_dma2 semaphore(%arg11 : memref<!tpu.dma_semaphore, #tpu.memory_space<semaphore_mem>>) src(%arg7 : memref<88x256xf32, #tpu.memory_space<vmem>>) dst(%dma_wait3A_96 : memref<88x256xf32, #tpu.memory_space<hbm>>)
    %dma_start3A_97 = arith.constant 440 : i32
    %dma_start3A_98 = tpu.memref_slice %arg5[%dma_start3A_97] : memref<704xi32, #tpu.memory_space<vmem>> -> memref<88xi32, #tpu.memory_space<vmem>>
    %dma_start3A_99 = arith.constant 0 : i32
    %dma_start3A_100 = arith.constant 0 : i32
    %dma_start3A_101 = tpu.memref_slice %arg3[%dma_start3A_99, %dma_start3A_100] : memref<100000x256xf32, #tpu.memory_space<hbm>> -> memref<100000x256xf32, #tpu.memory_space<hbm>>
    tpu.enqueue_indirect_dma source(%dma_start3A_101 : memref<100000x256xf32, #tpu.memory_space<hbm>>) target(%arg7 : memref<88x256xf32, #tpu.memory_space<vmem>>) offsets(%dma_start3A_98 : memref<88xi32, #tpu.memory_space<vmem>>) semaphore(%arg9 : memref<!tpu.dma_semaphore, #tpu.memory_space<semaphore_mem>>)
    %dma_wait3A_102 = arith.constant 440 : i32
    %dma_wait3A_103 = tpu.memref_slice %arg5[%dma_wait3A_102] : memref<704xi32, #tpu.memory_space<vmem>> -> memref<88xi32, #tpu.memory_space<vmem>>
    %dma_wait3A_104 = arith.constant 0 : i32
    %dma_wait3A_105 = arith.constant 0 : i32
    %dma_wait3A_106 = tpu.memref_slice %arg3[%dma_wait3A_104, %dma_wait3A_105] : memref<100000x256xf32, #tpu.memory_space<hbm>> -> memref<100000x256xf32, #tpu.memory_space<hbm>>
    tpu.wait_indirect_dma semaphore(%arg9 : memref<!tpu.dma_semaphore, #tpu.memory_space<semaphore_mem>>) src(%dma_wait3A_106 : memref<100000x256xf32, #tpu.memory_space<hbm>>) dst(%arg7 : memref<88x256xf32, #tpu.memory_space<vmem>>)
    %add3A_107 = arith.constant 440 : i32
    %add3A_108 = arith.addi %mul3A_2, %add3A_107 : i32
    %dma_start3A_109 = arith.constant 0 : i32
    %dma_start3A_110 = tpu.memref_slice %arg4[%add3A_108, %dma_start3A_109] : memref<22528x256xf32, #tpu.memory_space<hbm>> -> memref<88x256xf32, #tpu.memory_space<hbm>>
    %dma_start3A_111 = arith.constant 0 : i32
    %dma_start3A_112 = tpu.memref_slice %arg4[%add3A_108, %dma_start3A_111] : memref<22528x256xf32, #tpu.memory_space<hbm>> -> memref<88x256xf32, #tpu.memory_space<hbm>>
    tpu.enqueue_dma source(%arg7 : memref<88x256xf32, #tpu.memory_space<vmem>>) target(%dma_start3A_112 : memref<88x256xf32, #tpu.memory_space<hbm>>) target_semaphore(%arg11 : memref<!tpu.dma_semaphore, #tpu.memory_space<semaphore_mem>>)
    %dma_wait3A_113 = arith.constant 0 : i32
    %dma_wait3A_114 = tpu.memref_slice %arg4[%add3A_88, %dma_wait3A_113] : memref<22528x256xf32, #tpu.memory_space<hbm>> -> memref<88x256xf32, #tpu.memory_space<hbm>>
    %dma_wait3A_115 = arith.constant 0 : i32
    %dma_wait3A_116 = tpu.memref_slice %arg4[%add3A_88, %dma_wait3A_115] : memref<22528x256xf32, #tpu.memory_space<hbm>> -> memref<88x256xf32, #tpu.memory_space<hbm>>
    tpu.wait_dma2 semaphore(%arg10 : memref<!tpu.dma_semaphore, #tpu.memory_space<semaphore_mem>>) src(%arg6 : memref<88x256xf32, #tpu.memory_space<vmem>>) dst(%dma_wait3A_116 : memref<88x256xf32, #tpu.memory_space<hbm>>)
    %dma_start3A_117 = arith.constant 528 : i32
    %dma_start3A_118 = tpu.memref_slice %arg5[%dma_start3A_117] : memref<704xi32, #tpu.memory_space<vmem>> -> memref<88xi32, #tpu.memory_space<vmem>>
    %dma_start3A_119 = arith.constant 0 : i32
    %dma_start3A_120 = arith.constant 0 : i32
    %dma_start3A_121 = tpu.memref_slice %arg3[%dma_start3A_119, %dma_start3A_120] : memref<100000x256xf32, #tpu.memory_space<hbm>> -> memref<100000x256xf32, #tpu.memory_space<hbm>>
    tpu.enqueue_indirect_dma source(%dma_start3A_121 : memref<100000x256xf32, #tpu.memory_space<hbm>>) target(%arg6 : memref<88x256xf32, #tpu.memory_space<vmem>>) offsets(%dma_start3A_118 : memref<88xi32, #tpu.memory_space<vmem>>) semaphore(%arg8 : memref<!tpu.dma_semaphore, #tpu.memory_space<semaphore_mem>>)
    %dma_wait3A_122 = arith.constant 528 : i32
    %dma_wait3A_123 = tpu.memref_slice %arg5[%dma_wait3A_122] : memref<704xi32, #tpu.memory_space<vmem>> -> memref<88xi32, #tpu.memory_space<vmem>>
    %dma_wait3A_124 = arith.constant 0 : i32
    %dma_wait3A_125 = arith.constant 0 : i32
    %dma_wait3A_126 = tpu.memref_slice %arg3[%dma_wait3A_124, %dma_wait3A_125] : memref<100000x256xf32, #tpu.memory_space<hbm>> -> memref<100000x256xf32, #tpu.memory_space<hbm>>
    tpu.wait_indirect_dma semaphore(%arg8 : memref<!tpu.dma_semaphore, #tpu.memory_space<semaphore_mem>>) src(%dma_wait3A_126 : memref<100000x256xf32, #tpu.memory_space<hbm>>) dst(%arg6 : memref<88x256xf32, #tpu.memory_space<vmem>>)
    %add3A_127 = arith.constant 528 : i32
    %add3A_128 = arith.addi %mul3A_2, %add3A_127 : i32
    %dma_start3A_129 = arith.constant 0 : i32
    %dma_start3A_130 = tpu.memref_slice %arg4[%add3A_128, %dma_start3A_129] : memref<22528x256xf32, #tpu.memory_space<hbm>> -> memref<88x256xf32, #tpu.memory_space<hbm>>
    %dma_start3A_131 = arith.constant 0 : i32
    %dma_start3A_132 = tpu.memref_slice %arg4[%add3A_128, %dma_start3A_131] : memref<22528x256xf32, #tpu.memory_space<hbm>> -> memref<88x256xf32, #tpu.memory_space<hbm>>
    tpu.enqueue_dma source(%arg6 : memref<88x256xf32, #tpu.memory_space<vmem>>) target(%dma_start3A_132 : memref<88x256xf32, #tpu.memory_space<hbm>>) target_semaphore(%arg10 : memref<!tpu.dma_semaphore, #tpu.memory_space<semaphore_mem>>)
    %dma_wait3A_133 = arith.constant 0 : i32
    %dma_wait3A_134 = tpu.memref_slice %arg4[%add3A_108, %dma_wait3A_133] : memref<22528x256xf32, #tpu.memory_space<hbm>> -> memref<88x256xf32, #tpu.memory_space<hbm>>
    %dma_wait3A_135 = arith.constant 0 : i32
    %dma_wait3A_136 = tpu.memref_slice %arg4[%add3A_108, %dma_wait3A_135] : memref<22528x256xf32, #tpu.memory_space<hbm>> -> memref<88x256xf32, #tpu.memory_space<hbm>>
    tpu.wait_dma2 semaphore(%arg11 : memref<!tpu.dma_semaphore, #tpu.memory_space<semaphore_mem>>) src(%arg7 : memref<88x256xf32, #tpu.memory_space<vmem>>) dst(%dma_wait3A_136 : memref<88x256xf32, #tpu.memory_space<hbm>>)
    %dma_start3A_137 = arith.constant 616 : i32
    %dma_start3A_138 = tpu.memref_slice %arg5[%dma_start3A_137] : memref<704xi32, #tpu.memory_space<vmem>> -> memref<88xi32, #tpu.memory_space<vmem>>
    %dma_start3A_139 = arith.constant 0 : i32
    %dma_start3A_140 = arith.constant 0 : i32
    %dma_start3A_141 = tpu.memref_slice %arg3[%dma_start3A_139, %dma_start3A_140] : memref<100000x256xf32, #tpu.memory_space<hbm>> -> memref<100000x256xf32, #tpu.memory_space<hbm>>
    tpu.enqueue_indirect_dma source(%dma_start3A_141 : memref<100000x256xf32, #tpu.memory_space<hbm>>) target(%arg7 : memref<88x256xf32, #tpu.memory_space<vmem>>) offsets(%dma_start3A_138 : memref<88xi32, #tpu.memory_space<vmem>>) semaphore(%arg9 : memref<!tpu.dma_semaphore, #tpu.memory_space<semaphore_mem>>)
    %dma_wait3A_142 = arith.constant 616 : i32
    %dma_wait3A_143 = tpu.memref_slice %arg5[%dma_wait3A_142] : memref<704xi32, #tpu.memory_space<vmem>> -> memref<88xi32, #tpu.memory_space<vmem>>
    %dma_wait3A_144 = arith.constant 0 : i32
    %dma_wait3A_145 = arith.constant 0 : i32
    %dma_wait3A_146 = tpu.memref_slice %arg3[%dma_wait3A_144, %dma_wait3A_145] : memref<100000x256xf32, #tpu.memory_space<hbm>> -> memref<100000x256xf32, #tpu.memory_space<hbm>>
    tpu.wait_indirect_dma semaphore(%arg9 : memref<!tpu.dma_semaphore, #tpu.memory_space<semaphore_mem>>) src(%dma_wait3A_146 : memref<100000x256xf32, #tpu.memory_space<hbm>>) dst(%arg7 : memref<88x256xf32, #tpu.memory_space<vmem>>)
    %add3A_147 = arith.constant 616 : i32
    %add3A_148 = arith.addi %mul3A_2, %add3A_147 : i32
    %dma_start3A_149 = arith.constant 0 : i32
    %dma_start3A_150 = tpu.memref_slice %arg4[%add3A_148, %dma_start3A_149] : memref<22528x256xf32, #tpu.memory_space<hbm>> -> memref<88x256xf32, #tpu.memory_space<hbm>>
    %dma_start3A_151 = arith.constant 0 : i32
    %dma_start3A_152 = tpu.memref_slice %arg4[%add3A_148, %dma_start3A_151] : memref<22528x256xf32, #tpu.memory_space<hbm>> -> memref<88x256xf32, #tpu.memory_space<hbm>>
    tpu.enqueue_dma source(%arg7 : memref<88x256xf32, #tpu.memory_space<vmem>>) target(%dma_start3A_152 : memref<88x256xf32, #tpu.memory_space<hbm>>) target_semaphore(%arg11 : memref<!tpu.dma_semaphore, #tpu.memory_space<semaphore_mem>>)
    %dma_wait3A_153 = arith.constant 0 : i32
    %dma_wait3A_154 = tpu.memref_slice %arg4[%add3A_128, %dma_wait3A_153] : memref<22528x256xf32, #tpu.memory_space<hbm>> -> memref<88x256xf32, #tpu.memory_space<hbm>>
    %dma_wait3A_155 = arith.constant 0 : i32
    %dma_wait3A_156 = tpu.memref_slice %arg4[%add3A_128, %dma_wait3A_155] : memref<22528x256xf32, #tpu.memory_space<hbm>> -> memref<88x256xf32, #tpu.memory_space<hbm>>
    tpu.wait_dma2 semaphore(%arg10 : memref<!tpu.dma_semaphore, #tpu.memory_space<semaphore_mem>>) src(%arg6 : memref<88x256xf32, #tpu.memory_space<vmem>>) dst(%dma_wait3A_156 : memref<88x256xf32, #tpu.memory_space<hbm>>)
    %dma_wait3A_157 = arith.constant 0 : i32
    %dma_wait3A_158 = tpu.memref_slice %arg4[%add3A_148, %dma_wait3A_157] : memref<22528x256xf32, #tpu.memory_space<hbm>> -> memref<88x256xf32, #tpu.memory_space<hbm>>
    %dma_wait3A_159 = arith.constant 0 : i32
    %dma_wait3A_160 = tpu.memref_slice %arg4[%add3A_148, %dma_wait3A_159] : memref<22528x256xf32, #tpu.memory_space<hbm>> -> memref<88x256xf32, #tpu.memory_space<hbm>>
    tpu.wait_dma2 semaphore(%arg11 : memref<!tpu.dma_semaphore, #tpu.memory_space<semaphore_mem>>) src(%arg7 : memref<88x256xf32, #tpu.memory_space<vmem>>) dst(%dma_wait3A_160 : memref<88x256xf32, #tpu.memory_space<hbm>>)
    return
  }
}

module attributes {stable_mosaic.version = 14 : i64} {
  func.func @_gru_body(%arg0: i32, %arg1: memref<8x128x256xf32, #tpu.memory_space<vmem>>, %arg2: memref<256x3072xbf16, #tpu.memory_space<vmem>>, %arg3: memref<1024x3072xbf16, #tpu.memory_space<vmem>>, %arg4: memref<2x3072xf32, #tpu.memory_space<vmem>>, %arg5: memref<128x1024xf32, #tpu.memory_space<vmem>>, %arg6: memref<128x8x1024xf32, #tpu.memory_space<vmem>>, %arg7: memref<128x1024xf32, #tpu.memory_space<vmem>>, %arg8: memref<128x1024xf32, #tpu.memory_space<vmem>>) attributes {dimension_semantics = [#tpu.dimension_semantics<arbitrary>], iteration_bounds = array<i64: 3>, scalar_prefetch = 0 : i64, scratch_operands = 1 : i64, tpu.core_type = #tpu.core_type<tc>, window_params = [{transform_indices = @transform_0, window_bounds = array<i64: 8, 128, 256>}, {pipeline_mode = #tpu.pipeline_mode<synchronous>, transform_indices = @transform_1, window_bounds = array<i64: 256, 3072>}, {pipeline_mode = #tpu.pipeline_mode<synchronous>, transform_indices = @transform_2, window_bounds = array<i64: 1024, 3072>}, {pipeline_mode = #tpu.pipeline_mode<synchronous>, transform_indices = @transform_3, window_bounds = array<i64: 2, 3072>}, {pipeline_mode = #tpu.pipeline_mode<synchronous>, transform_indices = @transform_4, window_bounds = array<i64: 128, 1024>}, {transform_indices = @transform_5, window_bounds = array<i64: 128, 8, 1024>}, {pipeline_mode = #tpu.pipeline_mode<synchronous>, transform_indices = @transform_6, window_bounds = array<i64: 128, 1024>}]} {
    %eq3A = arith.constant 0 : i32
    %eq3A_0 = arith.cmpi eq, %arg0, %eq3A : i32
    %convert_element_type3A = arith.extui %eq3A_0 : i1 to i32
    %cond3A = arith.constant 0 : i32
    %cond3A_1 = arith.cmpi ne, %convert_element_type3A, %cond3A : i32
    scf.if %cond3A_1 {
      %get3A_348 = arith.constant 0 : index
      %get3A_349 = arith.constant 0 : index
      %get3A_350 = vector.load %arg5[%get3A_348, %get3A_349] : memref<128x1024xf32, #tpu.memory_space<vmem>>, vector<128x1024xf32>
      %swap3A_351 = arith.constant 0 : index
      %swap3A_352 = arith.constant 0 : index
      %swap3A_353 = vector.load %arg8[%swap3A_351, %swap3A_352] : memref<128x1024xf32, #tpu.memory_space<vmem>>, vector<128x1024xf32>
      tpu.vector_store %arg8[%swap3A_351, %swap3A_352], %get3A_350 {strides = array<i32>} : memref<128x1024xf32, #tpu.memory_space<vmem>>, vector<128x1024xf32>,
    } else {
    }
    %get3A = arith.constant 0 : index
    %get3A_2 = arith.constant 0 : index
    %get3A_3 = vector.load %arg4[%get3A, %get3A_2] : memref<2x3072xf32, #tpu.memory_space<vmem>>, vector<1x3072xf32>
    %get3A_4 = arith.constant 1 : index
    %get3A_5 = arith.constant 0 : index
    %get3A_6 = vector.load %arg4[%get3A_4, %get3A_5] : memref<2x3072xf32, #tpu.memory_space<vmem>>, vector<1x3072xf32>
    %get3A_7 = arith.constant 0 : index
    %get3A_8 = arith.constant 0 : index
    %get3A_9 = arith.constant 0 : index
    %get3A_10 = vector.load %arg1[%get3A_7, %get3A_8, %get3A_9] : memref<8x128x256xf32, #tpu.memory_space<vmem>>, vector<8x128x256xf32>
    %reshape3A = vector.shape_cast %get3A_10 : vector<8x128x256xf32> to vector<1024x256xf32>
    %convert_element_type3A_11 = arith.truncf %reshape3A : vector<1024x256xf32> to vector<1024x256xbf16>
    %get3A_12 = arith.constant 0 : index
    %get3A_13 = arith.constant 0 : index
    %get3A_14 = vector.load %arg2[%get3A_12, %get3A_13] : memref<256x3072xbf16, #tpu.memory_space<vmem>>, vector<256x3072xbf16>
    %dot_general3A = arith.constant dense<0.000000e+00> : vector<1024x3072xf32>
    %dot_general3A_15 = tpu.matmul %convert_element_type3A_11, %get3A_14, %dot_general3A {dimension_numbers = #tpu.dot_dimension_numbers<[1], [0], [0], [1], [0, 0, 1, 1], [], []>, transpose_lhs_hint = false} : vector<1024x256xbf16>, vector<256x3072xbf16>, vector<1024x3072xf32> -> vector<1024x3072xf32>
    %add3A = vector.broadcast %get3A_3 : vector<1x3072xf32> to vector<1024x3072xf32>
    %add3A_16 = arith.addf %dot_general3A_15, %add3A : vector<1024x3072xf32>
    %get3A_17 = arith.constant 0 : index
    %get3A_18 = arith.constant 0 : index
    %get3A_19 = vector.load %arg8[%get3A_17, %get3A_18] : memref<128x1024xf32, #tpu.memory_space<vmem>>, vector<128x1024xf32>
    %slice3A = vector.extract_strided_slice %add3A_16 {offsets = [0, 0], sizes = [128, 3072], strides = [1, 1]} : vector<1024x3072xf32> to vector<128x3072xf32>
    %convert_element_type3A_20 = arith.truncf %get3A_19 : vector<128x1024xf32> to vector<128x1024xbf16>
    %get3A_21 = arith.constant 0 : index
    %get3A_22 = arith.constant 0 : index
    %get3A_23 = vector.load %arg3[%get3A_21, %get3A_22] : memref<1024x3072xbf16, #tpu.memory_space<vmem>>, vector<1024x3072xbf16>
    %dot_general3A_24 = arith.constant dense<0.000000e+00> : vector<128x3072xf32>
    %dot_general3A_25 = tpu.matmul %convert_element_type3A_20, %get3A_23, %dot_general3A_24 {dimension_numbers = #tpu.dot_dimension_numbers<[1], [0], [0], [1], [0, 0, 1, 1], [], []>, transpose_lhs_hint = false} : vector<128x1024xbf16>, vector<1024x3072xbf16>, vector<128x3072xf32> -> vector<128x3072xf32>
    %add3A_26 = vector.broadcast %get3A_6 : vector<1x3072xf32> to vector<128x3072xf32>
    %add3A_27 = arith.addf %dot_general3A_25, %add3A_26 : vector<128x3072xf32>
    %slice3A_28 = vector.extract_strided_slice %slice3A {offsets = [0, 0], sizes = [128, 1024], strides = [1, 1]} : vector<128x3072xf32> to vector<128x1024xf32>
    %slice3A_29 = vector.extract_strided_slice %add3A_27 {offsets = [0, 0], sizes = [128, 1024], strides = [1, 1]} : vector<128x3072xf32> to vector<128x1024xf32>
    %add3A_30 = arith.addf %slice3A_28, %slice3A_29 : vector<128x1024xf32>
    %logistic3A = arith.negf %add3A_30 : vector<128x1024xf32>
    %logistic3A_31 = math.exp %logistic3A : vector<128x1024xf32>
    %logistic3A_32 = arith.constant 1.000000e+00 : f32
    %logistic3A_33 = vector.broadcast %logistic3A_32 : f32 to vector<128x1024xf32>
    %logistic3A_34 = arith.addf %logistic3A_33, %logistic3A_31 : vector<128x1024xf32>
    %logistic3A_35 = arith.divf %logistic3A_33, %logistic3A_34 : vector<128x1024xf32>
    %slice3A_36 = vector.extract_strided_slice %slice3A {offsets = [0, 1024], sizes = [128, 1024], strides = [1, 1]} : vector<128x3072xf32> to vector<128x1024xf32>
    %slice3A_37 = vector.extract_strided_slice %add3A_27 {offsets = [0, 1024], sizes = [128, 1024], strides = [1, 1]} : vector<128x3072xf32> to vector<128x1024xf32>
    %add3A_38 = arith.addf %slice3A_36, %slice3A_37 : vector<128x1024xf32>
    %logistic3A_39 = arith.negf %add3A_38 : vector<128x1024xf32>
    %logistic3A_40 = math.exp %logistic3A_39 : vector<128x1024xf32>
    %logistic3A_41 = arith.constant 1.000000e+00 : f32
    %logistic3A_42 = vector.broadcast %logistic3A_41 : f32 to vector<128x1024xf32>
    %logistic3A_43 = arith.addf %logistic3A_42, %logistic3A_40 : vector<128x1024xf32>
    %logistic3A_44 = arith.divf %logistic3A_42, %logistic3A_43 : vector<128x1024xf32>
    %slice3A_45 = vector.extract_strided_slice %slice3A {offsets = [0, 2048], sizes = [128, 1024], strides = [1, 1]} : vector<128x3072xf32> to vector<128x1024xf32>
    %slice3A_46 = vector.extract_strided_slice %add3A_27 {offsets = [0, 2048], sizes = [128, 1024], strides = [1, 1]} : vector<128x3072xf32> to vector<128x1024xf32>
    %mul3A = arith.mulf %logistic3A_44, %slice3A_46 : vector<128x1024xf32>
    %add3A_47 = arith.addf %slice3A_45, %mul3A : vector<128x1024xf32>
    %tanh3A = math.tanh %add3A_47 : vector<128x1024xf32>
    %sub3A = arith.subf %get3A_19, %tanh3A : vector<128x1024xf32>
    %mul3A_48 = arith.mulf %logistic3A_35, %sub3A : vector<128x1024xf32>
    %add3A_49 = arith.addf %tanh3A, %mul3A_48 : vector<128x1024xf32>
    %swap3A = arith.constant 0 : index
    %swap3A_50 = arith.constant 0 : index
    %swap3A_51 = arith.constant 0 : index
    %swap3A_52 = vector.load %arg6[%swap3A, %swap3A_50, %swap3A_51] : memref<128x8x1024xf32, #tpu.memory_space<vmem>>, vector<128x1x1024xf32>
    %swap3A_53 = vector.shape_cast %swap3A_52 : vector<128x1x1024xf32> to vector<128x1024xf32>
    %swap3A_54 = vector.shape_cast %add3A_49 : vector<128x1024xf32> to vector<128x1x1024xf32>
    tpu.vector_store %arg6[%swap3A, %swap3A_50, %swap3A_51], %swap3A_54 {strides = array<i32>} : memref<128x8x1024xf32, #tpu.memory_space<vmem>>, vector<128x1x1024xf32>,
    %slice3A_55 = vector.extract_strided_slice %add3A_16 {offsets = [128, 0], sizes = [128, 3072], strides = [1, 1]} : vector<1024x3072xf32> to vector<128x3072xf32>
    %convert_element_type3A_56 = arith.truncf %add3A_49 : vector<128x1024xf32> to vector<128x1024xbf16>
    %get3A_57 = arith.constant 0 : index
    %get3A_58 = arith.constant 0 : index
    %get3A_59 = vector.load %arg3[%get3A_57, %get3A_58] : memref<1024x3072xbf16, #tpu.memory_space<vmem>>, vector<1024x3072xbf16>
    %dot_general3A_60 = arith.constant dense<0.000000e+00> : vector<128x3072xf32>
    %dot_general3A_61 = tpu.matmul %convert_element_type3A_56, %get3A_59, %dot_general3A_60 {dimension_numbers = #tpu.dot_dimension_numbers<[1], [0], [0], [1], [0, 0, 1, 1], [], []>, transpose_lhs_hint = false} : vector<128x1024xbf16>, vector<1024x3072xbf16>, vector<128x3072xf32> -> vector<128x3072xf32>
    %add3A_62 = vector.broadcast %get3A_6 : vector<1x3072xf32> to vector<128x3072xf32>
    %add3A_63 = arith.addf %dot_general3A_61, %add3A_62 : vector<128x3072xf32>
    %slice3A_64 = vector.extract_strided_slice %slice3A_55 {offsets = [0, 0], sizes = [128, 1024], strides = [1, 1]} : vector<128x3072xf32> to vector<128x1024xf32>
    %slice3A_65 = vector.extract_strided_slice %add3A_63 {offsets = [0, 0], sizes = [128, 1024], strides = [1, 1]} : vector<128x3072xf32> to vector<128x1024xf32>
    %add3A_66 = arith.addf %slice3A_64, %slice3A_65 : vector<128x1024xf32>
    %logistic3A_67 = arith.negf %add3A_66 : vector<128x1024xf32>
    %logistic3A_68 = math.exp %logistic3A_67 : vector<128x1024xf32>
    %logistic3A_69 = arith.constant 1.000000e+00 : f32
    %logistic3A_70 = vector.broadcast %logistic3A_69 : f32 to vector<128x1024xf32>
    %logistic3A_71 = arith.addf %logistic3A_70, %logistic3A_68 : vector<128x1024xf32>
    %logistic3A_72 = arith.divf %logistic3A_70, %logistic3A_71 : vector<128x1024xf32>
    %slice3A_73 = vector.extract_strided_slice %slice3A_55 {offsets = [0, 1024], sizes = [128, 1024], strides = [1, 1]} : vector<128x3072xf32> to vector<128x1024xf32>
    %slice3A_74 = vector.extract_strided_slice %add3A_63 {offsets = [0, 1024], sizes = [128, 1024], strides = [1, 1]} : vector<128x3072xf32> to vector<128x1024xf32>
    %add3A_75 = arith.addf %slice3A_73, %slice3A_74 : vector<128x1024xf32>
    %logistic3A_76 = arith.negf %add3A_75 : vector<128x1024xf32>
    %logistic3A_77 = math.exp %logistic3A_76 : vector<128x1024xf32>
    %logistic3A_78 = arith.constant 1.000000e+00 : f32
    %logistic3A_79 = vector.broadcast %logistic3A_78 : f32 to vector<128x1024xf32>
    %logistic3A_80 = arith.addf %logistic3A_79, %logistic3A_77 : vector<128x1024xf32>
    %logistic3A_81 = arith.divf %logistic3A_79, %logistic3A_80 : vector<128x1024xf32>
    %slice3A_82 = vector.extract_strided_slice %slice3A_55 {offsets = [0, 2048], sizes = [128, 1024], strides = [1, 1]} : vector<128x3072xf32> to vector<128x1024xf32>
    %slice3A_83 = vector.extract_strided_slice %add3A_63 {offsets = [0, 2048], sizes = [128, 1024], strides = [1, 1]} : vector<128x3072xf32> to vector<128x1024xf32>
    %mul3A_84 = arith.mulf %logistic3A_81, %slice3A_83 : vector<128x1024xf32>
    %add3A_85 = arith.addf %slice3A_82, %mul3A_84 : vector<128x1024xf32>
    %tanh3A_86 = math.tanh %add3A_85 : vector<128x1024xf32>
    %sub3A_87 = arith.subf %add3A_49, %tanh3A_86 : vector<128x1024xf32>
    %mul3A_88 = arith.mulf %logistic3A_72, %sub3A_87 : vector<128x1024xf32>
    %add3A_89 = arith.addf %tanh3A_86, %mul3A_88 : vector<128x1024xf32>
    %swap3A_90 = arith.constant 0 : index
    %swap3A_91 = arith.constant 1 : index
    %swap3A_92 = arith.constant 0 : index
    %swap3A_93 = vector.load %arg6[%swap3A_90, %swap3A_91, %swap3A_92] : memref<128x8x1024xf32, #tpu.memory_space<vmem>>, vector<128x1x1024xf32>
    %swap3A_94 = vector.shape_cast %swap3A_93 : vector<128x1x1024xf32> to vector<128x1024xf32>
    %swap3A_95 = vector.shape_cast %add3A_89 : vector<128x1024xf32> to vector<128x1x1024xf32>
    tpu.vector_store %arg6[%swap3A_90, %swap3A_91, %swap3A_92], %swap3A_95 {strides = array<i32>} : memref<128x8x1024xf32, #tpu.memory_space<vmem>>, vector<128x1x1024xf32>,
    %slice3A_96 = vector.extract_strided_slice %add3A_16 {offsets = [256, 0], sizes = [128, 3072], strides = [1, 1]} : vector<1024x3072xf32> to vector<128x3072xf32>
    %convert_element_type3A_97 = arith.truncf %add3A_89 : vector<128x1024xf32> to vector<128x1024xbf16>
    %get3A_98 = arith.constant 0 : index
    %get3A_99 = arith.constant 0 : index
    %get3A_100 = vector.load %arg3[%get3A_98, %get3A_99] : memref<1024x3072xbf16, #tpu.memory_space<vmem>>, vector<1024x3072xbf16>
    %dot_general3A_101 = arith.constant dense<0.000000e+00> : vector<128x3072xf32>
    %dot_general3A_102 = tpu.matmul %convert_element_type3A_97, %get3A_100, %dot_general3A_101 {dimension_numbers = #tpu.dot_dimension_numbers<[1], [0], [0], [1], [0, 0, 1, 1], [], []>, transpose_lhs_hint = false} : vector<128x1024xbf16>, vector<1024x3072xbf16>, vector<128x3072xf32> -> vector<128x3072xf32>
    %add3A_103 = vector.broadcast %get3A_6 : vector<1x3072xf32> to vector<128x3072xf32>
    %add3A_104 = arith.addf %dot_general3A_102, %add3A_103 : vector<128x3072xf32>
    %slice3A_105 = vector.extract_strided_slice %slice3A_96 {offsets = [0, 0], sizes = [128, 1024], strides = [1, 1]} : vector<128x3072xf32> to vector<128x1024xf32>
    %slice3A_106 = vector.extract_strided_slice %add3A_104 {offsets = [0, 0], sizes = [128, 1024], strides = [1, 1]} : vector<128x3072xf32> to vector<128x1024xf32>
    %add3A_107 = arith.addf %slice3A_105, %slice3A_106 : vector<128x1024xf32>
    %logistic3A_108 = arith.negf %add3A_107 : vector<128x1024xf32>
    %logistic3A_109 = math.exp %logistic3A_108 : vector<128x1024xf32>
    %logistic3A_110 = arith.constant 1.000000e+00 : f32
    %logistic3A_111 = vector.broadcast %logistic3A_110 : f32 to vector<128x1024xf32>
    %logistic3A_112 = arith.addf %logistic3A_111, %logistic3A_109 : vector<128x1024xf32>
    %logistic3A_113 = arith.divf %logistic3A_111, %logistic3A_112 : vector<128x1024xf32>
    %slice3A_114 = vector.extract_strided_slice %slice3A_96 {offsets = [0, 1024], sizes = [128, 1024], strides = [1, 1]} : vector<128x3072xf32> to vector<128x1024xf32>
    %slice3A_115 = vector.extract_strided_slice %add3A_104 {offsets = [0, 1024], sizes = [128, 1024], strides = [1, 1]} : vector<128x3072xf32> to vector<128x1024xf32>
    %add3A_116 = arith.addf %slice3A_114, %slice3A_115 : vector<128x1024xf32>
    %logistic3A_117 = arith.negf %add3A_116 : vector<128x1024xf32>
    %logistic3A_118 = math.exp %logistic3A_117 : vector<128x1024xf32>
    %logistic3A_119 = arith.constant 1.000000e+00 : f32
    %logistic3A_120 = vector.broadcast %logistic3A_119 : f32 to vector<128x1024xf32>
    %logistic3A_121 = arith.addf %logistic3A_120, %logistic3A_118 : vector<128x1024xf32>
    %logistic3A_122 = arith.divf %logistic3A_120, %logistic3A_121 : vector<128x1024xf32>
    %slice3A_123 = vector.extract_strided_slice %slice3A_96 {offsets = [0, 2048], sizes = [128, 1024], strides = [1, 1]} : vector<128x3072xf32> to vector<128x1024xf32>
    %slice3A_124 = vector.extract_strided_slice %add3A_104 {offsets = [0, 2048], sizes = [128, 1024], strides = [1, 1]} : vector<128x3072xf32> to vector<128x1024xf32>
    %mul3A_125 = arith.mulf %logistic3A_122, %slice3A_124 : vector<128x1024xf32>
    %add3A_126 = arith.addf %slice3A_123, %mul3A_125 : vector<128x1024xf32>
    %tanh3A_127 = math.tanh %add3A_126 : vector<128x1024xf32>
    %sub3A_128 = arith.subf %add3A_89, %tanh3A_127 : vector<128x1024xf32>
    %mul3A_129 = arith.mulf %logistic3A_113, %sub3A_128 : vector<128x1024xf32>
    %add3A_130 = arith.addf %tanh3A_127, %mul3A_129 : vector<128x1024xf32>
    %swap3A_131 = arith.constant 0 : index
    %swap3A_132 = arith.constant 2 : index
    %swap3A_133 = arith.constant 0 : index
    %swap3A_134 = vector.load %arg6[%swap3A_131, %swap3A_132, %swap3A_133] : memref<128x8x1024xf32, #tpu.memory_space<vmem>>, vector<128x1x1024xf32>
    %swap3A_135 = vector.shape_cast %swap3A_134 : vector<128x1x1024xf32> to vector<128x1024xf32>
    %swap3A_136 = vector.shape_cast %add3A_130 : vector<128x1024xf32> to vector<128x1x1024xf32>
    tpu.vector_store %arg6[%swap3A_131, %swap3A_132, %swap3A_133], %swap3A_136 {strides = array<i32>} : memref<128x8x1024xf32, #tpu.memory_space<vmem>>, vector<128x1x1024xf32>,
    %slice3A_137 = vector.extract_strided_slice %add3A_16 {offsets = [384, 0], sizes = [128, 3072], strides = [1, 1]} : vector<1024x3072xf32> to vector<128x3072xf32>
    %convert_element_type3A_138 = arith.truncf %add3A_130 : vector<128x1024xf32> to vector<128x1024xbf16>
    %get3A_139 = arith.constant 0 : index
    %get3A_140 = arith.constant 0 : index
    %get3A_141 = vector.load %arg3[%get3A_139, %get3A_140] : memref<1024x3072xbf16, #tpu.memory_space<vmem>>, vector<1024x3072xbf16>
    %dot_general3A_142 = arith.constant dense<0.000000e+00> : vector<128x3072xf32>
    %dot_general3A_143 = tpu.matmul %convert_element_type3A_138, %get3A_141, %dot_general3A_142 {dimension_numbers = #tpu.dot_dimension_numbers<[1], [0], [0], [1], [0, 0, 1, 1], [], []>, transpose_lhs_hint = false} : vector<128x1024xbf16>, vector<1024x3072xbf16>, vector<128x3072xf32> -> vector<128x3072xf32>
    %add3A_144 = vector.broadcast %get3A_6 : vector<1x3072xf32> to vector<128x3072xf32>
    %add3A_145 = arith.addf %dot_general3A_143, %add3A_144 : vector<128x3072xf32>
    %slice3A_146 = vector.extract_strided_slice %slice3A_137 {offsets = [0, 0], sizes = [128, 1024], strides = [1, 1]} : vector<128x3072xf32> to vector<128x1024xf32>
    %slice3A_147 = vector.extract_strided_slice %add3A_145 {offsets = [0, 0], sizes = [128, 1024], strides = [1, 1]} : vector<128x3072xf32> to vector<128x1024xf32>
    %add3A_148 = arith.addf %slice3A_146, %slice3A_147 : vector<128x1024xf32>
    %logistic3A_149 = arith.negf %add3A_148 : vector<128x1024xf32>
    %logistic3A_150 = math.exp %logistic3A_149 : vector<128x1024xf32>
    %logistic3A_151 = arith.constant 1.000000e+00 : f32
    %logistic3A_152 = vector.broadcast %logistic3A_151 : f32 to vector<128x1024xf32>
    %logistic3A_153 = arith.addf %logistic3A_152, %logistic3A_150 : vector<128x1024xf32>
    %logistic3A_154 = arith.divf %logistic3A_152, %logistic3A_153 : vector<128x1024xf32>
    %slice3A_155 = vector.extract_strided_slice %slice3A_137 {offsets = [0, 1024], sizes = [128, 1024], strides = [1, 1]} : vector<128x3072xf32> to vector<128x1024xf32>
    %slice3A_156 = vector.extract_strided_slice %add3A_145 {offsets = [0, 1024], sizes = [128, 1024], strides = [1, 1]} : vector<128x3072xf32> to vector<128x1024xf32>
    %add3A_157 = arith.addf %slice3A_155, %slice3A_156 : vector<128x1024xf32>
    %logistic3A_158 = arith.negf %add3A_157 : vector<128x1024xf32>
    %logistic3A_159 = math.exp %logistic3A_158 : vector<128x1024xf32>
    %logistic3A_160 = arith.constant 1.000000e+00 : f32
    %logistic3A_161 = vector.broadcast %logistic3A_160 : f32 to vector<128x1024xf32>
    %logistic3A_162 = arith.addf %logistic3A_161, %logistic3A_159 : vector<128x1024xf32>
    %logistic3A_163 = arith.divf %logistic3A_161, %logistic3A_162 : vector<128x1024xf32>
    %slice3A_164 = vector.extract_strided_slice %slice3A_137 {offsets = [0, 2048], sizes = [128, 1024], strides = [1, 1]} : vector<128x3072xf32> to vector<128x1024xf32>
    %slice3A_165 = vector.extract_strided_slice %add3A_145 {offsets = [0, 2048], sizes = [128, 1024], strides = [1, 1]} : vector<128x3072xf32> to vector<128x1024xf32>
    %mul3A_166 = arith.mulf %logistic3A_163, %slice3A_165 : vector<128x1024xf32>
    %add3A_167 = arith.addf %slice3A_164, %mul3A_166 : vector<128x1024xf32>
    %tanh3A_168 = math.tanh %add3A_167 : vector<128x1024xf32>
    %sub3A_169 = arith.subf %add3A_130, %tanh3A_168 : vector<128x1024xf32>
    %mul3A_170 = arith.mulf %logistic3A_154, %sub3A_169 : vector<128x1024xf32>
    %add3A_171 = arith.addf %tanh3A_168, %mul3A_170 : vector<128x1024xf32>
    %swap3A_172 = arith.constant 0 : index
    %swap3A_173 = arith.constant 3 : index
    %swap3A_174 = arith.constant 0 : index
    %swap3A_175 = vector.load %arg6[%swap3A_172, %swap3A_173, %swap3A_174] : memref<128x8x1024xf32, #tpu.memory_space<vmem>>, vector<128x1x1024xf32>
    %swap3A_176 = vector.shape_cast %swap3A_175 : vector<128x1x1024xf32> to vector<128x1024xf32>
    %swap3A_177 = vector.shape_cast %add3A_171 : vector<128x1024xf32> to vector<128x1x1024xf32>
    tpu.vector_store %arg6[%swap3A_172, %swap3A_173, %swap3A_174], %swap3A_177 {strides = array<i32>} : memref<128x8x1024xf32, #tpu.memory_space<vmem>>, vector<128x1x1024xf32>,
    %slice3A_178 = vector.extract_strided_slice %add3A_16 {offsets = [512, 0], sizes = [128, 3072], strides = [1, 1]} : vector<1024x3072xf32> to vector<128x3072xf32>
    %convert_element_type3A_179 = arith.truncf %add3A_171 : vector<128x1024xf32> to vector<128x1024xbf16>
    %get3A_180 = arith.constant 0 : index
    %get3A_181 = arith.constant 0 : index
    %get3A_182 = vector.load %arg3[%get3A_180, %get3A_181] : memref<1024x3072xbf16, #tpu.memory_space<vmem>>, vector<1024x3072xbf16>
    %dot_general3A_183 = arith.constant dense<0.000000e+00> : vector<128x3072xf32>
    %dot_general3A_184 = tpu.matmul %convert_element_type3A_179, %get3A_182, %dot_general3A_183 {dimension_numbers = #tpu.dot_dimension_numbers<[1], [0], [0], [1], [0, 0, 1, 1], [], []>, transpose_lhs_hint = false} : vector<128x1024xbf16>, vector<1024x3072xbf16>, vector<128x3072xf32> -> vector<128x3072xf32>
    %add3A_185 = vector.broadcast %get3A_6 : vector<1x3072xf32> to vector<128x3072xf32>
    %add3A_186 = arith.addf %dot_general3A_184, %add3A_185 : vector<128x3072xf32>
    %slice3A_187 = vector.extract_strided_slice %slice3A_178 {offsets = [0, 0], sizes = [128, 1024], strides = [1, 1]} : vector<128x3072xf32> to vector<128x1024xf32>
    %slice3A_188 = vector.extract_strided_slice %add3A_186 {offsets = [0, 0], sizes = [128, 1024], strides = [1, 1]} : vector<128x3072xf32> to vector<128x1024xf32>
    %add3A_189 = arith.addf %slice3A_187, %slice3A_188 : vector<128x1024xf32>
    %logistic3A_190 = arith.negf %add3A_189 : vector<128x1024xf32>
    %logistic3A_191 = math.exp %logistic3A_190 : vector<128x1024xf32>
    %logistic3A_192 = arith.constant 1.000000e+00 : f32
    %logistic3A_193 = vector.broadcast %logistic3A_192 : f32 to vector<128x1024xf32>
    %logistic3A_194 = arith.addf %logistic3A_193, %logistic3A_191 : vector<128x1024xf32>
    %logistic3A_195 = arith.divf %logistic3A_193, %logistic3A_194 : vector<128x1024xf32>
    %slice3A_196 = vector.extract_strided_slice %slice3A_178 {offsets = [0, 1024], sizes = [128, 1024], strides = [1, 1]} : vector<128x3072xf32> to vector<128x1024xf32>
    %slice3A_197 = vector.extract_strided_slice %add3A_186 {offsets = [0, 1024], sizes = [128, 1024], strides = [1, 1]} : vector<128x3072xf32> to vector<128x1024xf32>
    %add3A_198 = arith.addf %slice3A_196, %slice3A_197 : vector<128x1024xf32>
    %logistic3A_199 = arith.negf %add3A_198 : vector<128x1024xf32>
    %logistic3A_200 = math.exp %logistic3A_199 : vector<128x1024xf32>
    %logistic3A_201 = arith.constant 1.000000e+00 : f32
    %logistic3A_202 = vector.broadcast %logistic3A_201 : f32 to vector<128x1024xf32>
    %logistic3A_203 = arith.addf %logistic3A_202, %logistic3A_200 : vector<128x1024xf32>
    %logistic3A_204 = arith.divf %logistic3A_202, %logistic3A_203 : vector<128x1024xf32>
    %slice3A_205 = vector.extract_strided_slice %slice3A_178 {offsets = [0, 2048], sizes = [128, 1024], strides = [1, 1]} : vector<128x3072xf32> to vector<128x1024xf32>
    %slice3A_206 = vector.extract_strided_slice %add3A_186 {offsets = [0, 2048], sizes = [128, 1024], strides = [1, 1]} : vector<128x3072xf32> to vector<128x1024xf32>
    %mul3A_207 = arith.mulf %logistic3A_204, %slice3A_206 : vector<128x1024xf32>
    %add3A_208 = arith.addf %slice3A_205, %mul3A_207 : vector<128x1024xf32>
    %tanh3A_209 = math.tanh %add3A_208 : vector<128x1024xf32>
    %sub3A_210 = arith.subf %add3A_171, %tanh3A_209 : vector<128x1024xf32>
    %mul3A_211 = arith.mulf %logistic3A_195, %sub3A_210 : vector<128x1024xf32>
    %add3A_212 = arith.addf %tanh3A_209, %mul3A_211 : vector<128x1024xf32>
    %swap3A_213 = arith.constant 0 : index
    %swap3A_214 = arith.constant 4 : index
    %swap3A_215 = arith.constant 0 : index
    %swap3A_216 = vector.load %arg6[%swap3A_213, %swap3A_214, %swap3A_215] : memref<128x8x1024xf32, #tpu.memory_space<vmem>>, vector<128x1x1024xf32>
    %swap3A_217 = vector.shape_cast %swap3A_216 : vector<128x1x1024xf32> to vector<128x1024xf32>
    %swap3A_218 = vector.shape_cast %add3A_212 : vector<128x1024xf32> to vector<128x1x1024xf32>
    tpu.vector_store %arg6[%swap3A_213, %swap3A_214, %swap3A_215], %swap3A_218 {strides = array<i32>} : memref<128x8x1024xf32, #tpu.memory_space<vmem>>, vector<128x1x1024xf32>,
    %slice3A_219 = vector.extract_strided_slice %add3A_16 {offsets = [640, 0], sizes = [128, 3072], strides = [1, 1]} : vector<1024x3072xf32> to vector<128x3072xf32>
    %convert_element_type3A_220 = arith.truncf %add3A_212 : vector<128x1024xf32> to vector<128x1024xbf16>
    %get3A_221 = arith.constant 0 : index
    %get3A_222 = arith.constant 0 : index
    %get3A_223 = vector.load %arg3[%get3A_221, %get3A_222] : memref<1024x3072xbf16, #tpu.memory_space<vmem>>, vector<1024x3072xbf16>
    %dot_general3A_224 = arith.constant dense<0.000000e+00> : vector<128x3072xf32>
    %dot_general3A_225 = tpu.matmul %convert_element_type3A_220, %get3A_223, %dot_general3A_224 {dimension_numbers = #tpu.dot_dimension_numbers<[1], [0], [0], [1], [0, 0, 1, 1], [], []>, transpose_lhs_hint = false} : vector<128x1024xbf16>, vector<1024x3072xbf16>, vector<128x3072xf32> -> vector<128x3072xf32>
    %add3A_226 = vector.broadcast %get3A_6 : vector<1x3072xf32> to vector<128x3072xf32>
    %add3A_227 = arith.addf %dot_general3A_225, %add3A_226 : vector<128x3072xf32>
    %slice3A_228 = vector.extract_strided_slice %slice3A_219 {offsets = [0, 0], sizes = [128, 1024], strides = [1, 1]} : vector<128x3072xf32> to vector<128x1024xf32>
    %slice3A_229 = vector.extract_strided_slice %add3A_227 {offsets = [0, 0], sizes = [128, 1024], strides = [1, 1]} : vector<128x3072xf32> to vector<128x1024xf32>
    %add3A_230 = arith.addf %slice3A_228, %slice3A_229 : vector<128x1024xf32>
    %logistic3A_231 = arith.negf %add3A_230 : vector<128x1024xf32>
    %logistic3A_232 = math.exp %logistic3A_231 : vector<128x1024xf32>
    %logistic3A_233 = arith.constant 1.000000e+00 : f32
    %logistic3A_234 = vector.broadcast %logistic3A_233 : f32 to vector<128x1024xf32>
    %logistic3A_235 = arith.addf %logistic3A_234, %logistic3A_232 : vector<128x1024xf32>
    %logistic3A_236 = arith.divf %logistic3A_234, %logistic3A_235 : vector<128x1024xf32>
    %slice3A_237 = vector.extract_strided_slice %slice3A_219 {offsets = [0, 1024], sizes = [128, 1024], strides = [1, 1]} : vector<128x3072xf32> to vector<128x1024xf32>
    %slice3A_238 = vector.extract_strided_slice %add3A_227 {offsets = [0, 1024], sizes = [128, 1024], strides = [1, 1]} : vector<128x3072xf32> to vector<128x1024xf32>
    %add3A_239 = arith.addf %slice3A_237, %slice3A_238 : vector<128x1024xf32>
    %logistic3A_240 = arith.negf %add3A_239 : vector<128x1024xf32>
    %logistic3A_241 = math.exp %logistic3A_240 : vector<128x1024xf32>
    %logistic3A_242 = arith.constant 1.000000e+00 : f32
    %logistic3A_243 = vector.broadcast %logistic3A_242 : f32 to vector<128x1024xf32>
    %logistic3A_244 = arith.addf %logistic3A_243, %logistic3A_241 : vector<128x1024xf32>
    %logistic3A_245 = arith.divf %logistic3A_243, %logistic3A_244 : vector<128x1024xf32>
    %slice3A_246 = vector.extract_strided_slice %slice3A_219 {offsets = [0, 2048], sizes = [128, 1024], strides = [1, 1]} : vector<128x3072xf32> to vector<128x1024xf32>
    %slice3A_247 = vector.extract_strided_slice %add3A_227 {offsets = [0, 2048], sizes = [128, 1024], strides = [1, 1]} : vector<128x3072xf32> to vector<128x1024xf32>
    %mul3A_248 = arith.mulf %logistic3A_245, %slice3A_247 : vector<128x1024xf32>
    %add3A_249 = arith.addf %slice3A_246, %mul3A_248 : vector<128x1024xf32>
    %tanh3A_250 = math.tanh %add3A_249 : vector<128x1024xf32>
    %sub3A_251 = arith.subf %add3A_212, %tanh3A_250 : vector<128x1024xf32>
    %mul3A_252 = arith.mulf %logistic3A_236, %sub3A_251 : vector<128x1024xf32>
    %add3A_253 = arith.addf %tanh3A_250, %mul3A_252 : vector<128x1024xf32>
    %swap3A_254 = arith.constant 0 : index
    %swap3A_255 = arith.constant 5 : index
    %swap3A_256 = arith.constant 0 : index
    %swap3A_257 = vector.load %arg6[%swap3A_254, %swap3A_255, %swap3A_256] : memref<128x8x1024xf32, #tpu.memory_space<vmem>>, vector<128x1x1024xf32>
    %swap3A_258 = vector.shape_cast %swap3A_257 : vector<128x1x1024xf32> to vector<128x1024xf32>
    %swap3A_259 = vector.shape_cast %add3A_253 : vector<128x1024xf32> to vector<128x1x1024xf32>
    tpu.vector_store %arg6[%swap3A_254, %swap3A_255, %swap3A_256], %swap3A_259 {strides = array<i32>} : memref<128x8x1024xf32, #tpu.memory_space<vmem>>, vector<128x1x1024xf32>,
    %slice3A_260 = vector.extract_strided_slice %add3A_16 {offsets = [768, 0], sizes = [128, 3072], strides = [1, 1]} : vector<1024x3072xf32> to vector<128x3072xf32>
    %convert_element_type3A_261 = arith.truncf %add3A_253 : vector<128x1024xf32> to vector<128x1024xbf16>
    %get3A_262 = arith.constant 0 : index
    %get3A_263 = arith.constant 0 : index
    %get3A_264 = vector.load %arg3[%get3A_262, %get3A_263] : memref<1024x3072xbf16, #tpu.memory_space<vmem>>, vector<1024x3072xbf16>
    %dot_general3A_265 = arith.constant dense<0.000000e+00> : vector<128x3072xf32>
    %dot_general3A_266 = tpu.matmul %convert_element_type3A_261, %get3A_264, %dot_general3A_265 {dimension_numbers = #tpu.dot_dimension_numbers<[1], [0], [0], [1], [0, 0, 1, 1], [], []>, transpose_lhs_hint = false} : vector<128x1024xbf16>, vector<1024x3072xbf16>, vector<128x3072xf32> -> vector<128x3072xf32>
    %add3A_267 = vector.broadcast %get3A_6 : vector<1x3072xf32> to vector<128x3072xf32>
    %add3A_268 = arith.addf %dot_general3A_266, %add3A_267 : vector<128x3072xf32>
    %slice3A_269 = vector.extract_strided_slice %slice3A_260 {offsets = [0, 0], sizes = [128, 1024], strides = [1, 1]} : vector<128x3072xf32> to vector<128x1024xf32>
    %slice3A_270 = vector.extract_strided_slice %add3A_268 {offsets = [0, 0], sizes = [128, 1024], strides = [1, 1]} : vector<128x3072xf32> to vector<128x1024xf32>
    %add3A_271 = arith.addf %slice3A_269, %slice3A_270 : vector<128x1024xf32>
    %logistic3A_272 = arith.negf %add3A_271 : vector<128x1024xf32>
    %logistic3A_273 = math.exp %logistic3A_272 : vector<128x1024xf32>
    %logistic3A_274 = arith.constant 1.000000e+00 : f32
    %logistic3A_275 = vector.broadcast %logistic3A_274 : f32 to vector<128x1024xf32>
    %logistic3A_276 = arith.addf %logistic3A_275, %logistic3A_273 : vector<128x1024xf32>
    %logistic3A_277 = arith.divf %logistic3A_275, %logistic3A_276 : vector<128x1024xf32>
    %slice3A_278 = vector.extract_strided_slice %slice3A_260 {offsets = [0, 1024], sizes = [128, 1024], strides = [1, 1]} : vector<128x3072xf32> to vector<128x1024xf32>
    %slice3A_279 = vector.extract_strided_slice %add3A_268 {offsets = [0, 1024], sizes = [128, 1024], strides = [1, 1]} : vector<128x3072xf32> to vector<128x1024xf32>
    %add3A_280 = arith.addf %slice3A_278, %slice3A_279 : vector<128x1024xf32>
    %logistic3A_281 = arith.negf %add3A_280 : vector<128x1024xf32>
    %logistic3A_282 = math.exp %logistic3A_281 : vector<128x1024xf32>
    %logistic3A_283 = arith.constant 1.000000e+00 : f32
    %logistic3A_284 = vector.broadcast %logistic3A_283 : f32 to vector<128x1024xf32>
    %logistic3A_285 = arith.addf %logistic3A_284, %logistic3A_282 : vector<128x1024xf32>
    %logistic3A_286 = arith.divf %logistic3A_284, %logistic3A_285 : vector<128x1024xf32>
    %slice3A_287 = vector.extract_strided_slice %slice3A_260 {offsets = [0, 2048], sizes = [128, 1024], strides = [1, 1]} : vector<128x3072xf32> to vector<128x1024xf32>
    %slice3A_288 = vector.extract_strided_slice %add3A_268 {offsets = [0, 2048], sizes = [128, 1024], strides = [1, 1]} : vector<128x3072xf32> to vector<128x1024xf32>
    %mul3A_289 = arith.mulf %logistic3A_286, %slice3A_288 : vector<128x1024xf32>
    %add3A_290 = arith.addf %slice3A_287, %mul3A_289 : vector<128x1024xf32>
    %tanh3A_291 = math.tanh %add3A_290 : vector<128x1024xf32>
    %sub3A_292 = arith.subf %add3A_253, %tanh3A_291 : vector<128x1024xf32>
    %mul3A_293 = arith.mulf %logistic3A_277, %sub3A_292 : vector<128x1024xf32>
    %add3A_294 = arith.addf %tanh3A_291, %mul3A_293 : vector<128x1024xf32>
    %swap3A_295 = arith.constant 0 : index
    %swap3A_296 = arith.constant 6 : index
    %swap3A_297 = arith.constant 0 : index
    %swap3A_298 = vector.load %arg6[%swap3A_295, %swap3A_296, %swap3A_297] : memref<128x8x1024xf32, #tpu.memory_space<vmem>>, vector<128x1x1024xf32>
    %swap3A_299 = vector.shape_cast %swap3A_298 : vector<128x1x1024xf32> to vector<128x1024xf32>
    %swap3A_300 = vector.shape_cast %add3A_294 : vector<128x1024xf32> to vector<128x1x1024xf32>
    tpu.vector_store %arg6[%swap3A_295, %swap3A_296, %swap3A_297], %swap3A_300 {strides = array<i32>} : memref<128x8x1024xf32, #tpu.memory_space<vmem>>, vector<128x1x1024xf32>,
    %slice3A_301 = vector.extract_strided_slice %add3A_16 {offsets = [896, 0], sizes = [128, 3072], strides = [1, 1]} : vector<1024x3072xf32> to vector<128x3072xf32>
    %convert_element_type3A_302 = arith.truncf %add3A_294 : vector<128x1024xf32> to vector<128x1024xbf16>
    %get3A_303 = arith.constant 0 : index
    %get3A_304 = arith.constant 0 : index
    %get3A_305 = vector.load %arg3[%get3A_303, %get3A_304] : memref<1024x3072xbf16, #tpu.memory_space<vmem>>, vector<1024x3072xbf16>
    %dot_general3A_306 = arith.constant dense<0.000000e+00> : vector<128x3072xf32>
    %dot_general3A_307 = tpu.matmul %convert_element_type3A_302, %get3A_305, %dot_general3A_306 {dimension_numbers = #tpu.dot_dimension_numbers<[1], [0], [0], [1], [0, 0, 1, 1], [], []>, transpose_lhs_hint = false} : vector<128x1024xbf16>, vector<1024x3072xbf16>, vector<128x3072xf32> -> vector<128x3072xf32>
    %add3A_308 = vector.broadcast %get3A_6 : vector<1x3072xf32> to vector<128x3072xf32>
    %add3A_309 = arith.addf %dot_general3A_307, %add3A_308 : vector<128x3072xf32>
    %slice3A_310 = vector.extract_strided_slice %slice3A_301 {offsets = [0, 0], sizes = [128, 1024], strides = [1, 1]} : vector<128x3072xf32> to vector<128x1024xf32>
    %slice3A_311 = vector.extract_strided_slice %add3A_309 {offsets = [0, 0], sizes = [128, 1024], strides = [1, 1]} : vector<128x3072xf32> to vector<128x1024xf32>
    %add3A_312 = arith.addf %slice3A_310, %slice3A_311 : vector<128x1024xf32>
    %logistic3A_313 = arith.negf %add3A_312 : vector<128x1024xf32>
    %logistic3A_314 = math.exp %logistic3A_313 : vector<128x1024xf32>
    %logistic3A_315 = arith.constant 1.000000e+00 : f32
    %logistic3A_316 = vector.broadcast %logistic3A_315 : f32 to vector<128x1024xf32>
    %logistic3A_317 = arith.addf %logistic3A_316, %logistic3A_314 : vector<128x1024xf32>
    %logistic3A_318 = arith.divf %logistic3A_316, %logistic3A_317 : vector<128x1024xf32>
    %slice3A_319 = vector.extract_strided_slice %slice3A_301 {offsets = [0, 1024], sizes = [128, 1024], strides = [1, 1]} : vector<128x3072xf32> to vector<128x1024xf32>
    %slice3A_320 = vector.extract_strided_slice %add3A_309 {offsets = [0, 1024], sizes = [128, 1024], strides = [1, 1]} : vector<128x3072xf32> to vector<128x1024xf32>
    %add3A_321 = arith.addf %slice3A_319, %slice3A_320 : vector<128x1024xf32>
    %logistic3A_322 = arith.negf %add3A_321 : vector<128x1024xf32>
    %logistic3A_323 = math.exp %logistic3A_322 : vector<128x1024xf32>
    %logistic3A_324 = arith.constant 1.000000e+00 : f32
    %logistic3A_325 = vector.broadcast %logistic3A_324 : f32 to vector<128x1024xf32>
    %logistic3A_326 = arith.addf %logistic3A_325, %logistic3A_323 : vector<128x1024xf32>
    %logistic3A_327 = arith.divf %logistic3A_325, %logistic3A_326 : vector<128x1024xf32>
    %slice3A_328 = vector.extract_strided_slice %slice3A_301 {offsets = [0, 2048], sizes = [128, 1024], strides = [1, 1]} : vector<128x3072xf32> to vector<128x1024xf32>
    %slice3A_329 = vector.extract_strided_slice %add3A_309 {offsets = [0, 2048], sizes = [128, 1024], strides = [1, 1]} : vector<128x3072xf32> to vector<128x1024xf32>
    %mul3A_330 = arith.mulf %logistic3A_327, %slice3A_329 : vector<128x1024xf32>
    %add3A_331 = arith.addf %slice3A_328, %mul3A_330 : vector<128x1024xf32>
    %tanh3A_332 = math.tanh %add3A_331 : vector<128x1024xf32>
    %sub3A_333 = arith.subf %add3A_294, %tanh3A_332 : vector<128x1024xf32>
    %mul3A_334 = arith.mulf %logistic3A_318, %sub3A_333 : vector<128x1024xf32>
    %add3A_335 = arith.addf %tanh3A_332, %mul3A_334 : vector<128x1024xf32>
    %swap3A_336 = arith.constant 0 : index
    %swap3A_337 = arith.constant 7 : index
    %swap3A_338 = arith.constant 0 : index
    %swap3A_339 = vector.load %arg6[%swap3A_336, %swap3A_337, %swap3A_338] : memref<128x8x1024xf32, #tpu.memory_space<vmem>>, vector<128x1x1024xf32>
    %swap3A_340 = vector.shape_cast %swap3A_339 : vector<128x1x1024xf32> to vector<128x1024xf32>
    %swap3A_341 = vector.shape_cast %add3A_335 : vector<128x1024xf32> to vector<128x1x1024xf32>
    tpu.vector_store %arg6[%swap3A_336, %swap3A_337, %swap3A_338], %swap3A_341 {strides = array<i32>} : memref<128x8x1024xf32, #tpu.memory_space<vmem>>, vector<128x1x1024xf32>,
    %swap3A_342 = arith.constant 0 : index
    %swap3A_343 = arith.constant 0 : index
    %swap3A_344 = vector.load %arg8[%swap3A_342, %swap3A_343] : memref<128x1024xf32, #tpu.memory_space<vmem>>, vector<128x1024xf32>
    tpu.vector_store %arg8[%swap3A_342, %swap3A_343], %add3A_335 {strides = array<i32>} : memref<128x1024xf32, #tpu.memory_space<vmem>>, vector<128x1024xf32>,
    %swap3A_345 = arith.constant 0 : index
    %swap3A_346 = arith.constant 0 : index
    %swap3A_347 = vector.load %arg7[%swap3A_345, %swap3A_346] : memref<128x1024xf32, #tpu.memory_space<vmem>>, vector<128x1024xf32>
    tpu.vector_store %arg7[%swap3A_345, %swap3A_346], %add3A_335 {strides = array<i32>} : memref<128x1024xf32, #tpu.memory_space<vmem>>, vector<128x1024xf32>,
    return
  }
  func.func @transform_0(%arg0: i32) -> (i32, i32, i32) {
    %c0_i32 = arith.constant 0 : i32
    %c0_i32_0 = arith.constant 0 : i32
    %c0_i32_1 = arith.constant 0 : i32
    return %arg0, %c0_i32, %c0_i32_0 : i32, i32, i32
  }
  func.func @transform_1(%arg0: i32) -> (i32, i32) {
    %c0_i32 = arith.constant 0 : i32
    %c0_i32_0 = arith.constant 0 : i32
    %c0_i32_1 = arith.constant 0 : i32
    return %c0_i32, %c0_i32_0 : i32, i32
  }
  func.func @transform_2(%arg0: i32) -> (i32, i32) {
    %c0_i32 = arith.constant 0 : i32
    %c0_i32_0 = arith.constant 0 : i32
    %c0_i32_1 = arith.constant 0 : i32
    return %c0_i32, %c0_i32_0 : i32, i32
  }
  func.func @transform_3(%arg0: i32) -> (i32, i32) {
    %c0_i32 = arith.constant 0 : i32
    %c0_i32_0 = arith.constant 0 : i32
    %c0_i32_1 = arith.constant 0 : i32
    return %c0_i32, %c0_i32_0 : i32, i32
  }
  func.func @transform_4(%arg0: i32) -> (i32, i32) {
    %c0_i32 = arith.constant 0 : i32
    %c0_i32_0 = arith.constant 0 : i32
    %c0_i32_1 = arith.constant 0 : i32
    return %c0_i32, %c0_i32_0 : i32, i32
  }
  func.func @transform_5(%arg0: i32) -> (i32, i32, i32) {
    %add3A = arith.constant 0 : i32
    %add3A_0 = arith.addi %arg0, %add3A : i32
    %c0_i32 = arith.constant 0 : i32
    %c0_i32_1 = arith.constant 0 : i32
    %c0_i32_2 = arith.constant 0 : i32
    return %c0_i32, %add3A_0, %c0_i32_1 : i32, i32, i32
  }
  func.func @transform_6(%arg0: i32) -> (i32, i32) {
    %c0_i32 = arith.constant 0 : i32
    %c0_i32_0 = arith.constant 0 : i32
    %c0_i32_1 = arith.constant 0 : i32
    return %c0_i32, %c0_i32_0 : i32, i32
  }
}

module attributes {stable_mosaic.version = 14 : i64} {
  func.func @_gru_body(%arg0: i32, %arg1: memref<8x128x256xf32, #tpu.memory_space<vmem>>, %arg2: memref<256x3072xbf16, #tpu.memory_space<vmem>>, %arg3: memref<1024x3072xbf16, #tpu.memory_space<vmem>>, %arg4: memref<2x3072xf32, #tpu.memory_space<vmem>>, %arg5: memref<128x1024xf32, #tpu.memory_space<vmem>>, %arg6: memref<128x200x1024xf32, #tpu.memory_space<any>>, %arg7: memref<128x8x1024xf32, #tpu.memory_space<vmem>>, %arg8: memref<128x1024xf32, #tpu.memory_space<vmem>>, %arg9: memref<128x1024xf32, #tpu.memory_space<vmem>>) attributes {dimension_semantics = [#tpu.dimension_semantics<arbitrary>], iteration_bounds = array<i64: 22>, scalar_prefetch = 0 : i64, scratch_operands = 1 : i64, tpu.core_type = #tpu.core_type<tc>, window_params = [{transform_indices = @transform_0, window_bounds = array<i64: 8, 128, 256>}, {pipeline_mode = #tpu.pipeline_mode<synchronous>, transform_indices = @transform_1, window_bounds = array<i64: 256, 3072>}, {pipeline_mode = #tpu.pipeline_mode<synchronous>, transform_indices = @transform_2, window_bounds = array<i64: 1024, 3072>}, {pipeline_mode = #tpu.pipeline_mode<synchronous>, transform_indices = @transform_3, window_bounds = array<i64: 2, 3072>}, {pipeline_mode = #tpu.pipeline_mode<synchronous>, transform_indices = @transform_4, window_bounds = array<i64: 128, 1024>}, {}, {transform_indices = @transform_6, window_bounds = array<i64: 128, 8, 1024>}, {pipeline_mode = #tpu.pipeline_mode<synchronous>, transform_indices = @transform_7, window_bounds = array<i64: 128, 1024>}]} {
    %eq3A = arith.constant 0 : i32
    %eq3A_0 = arith.cmpi eq, %arg0, %eq3A : i32
    %convert_element_type3A = arith.extui %eq3A_0 : i1 to i32
    %cond3A = arith.constant 0 : i32
    %cond3A_1 = arith.cmpi ne, %convert_element_type3A, %cond3A : i32
    scf.if %cond3A_1 {
      %get3A_348 = arith.constant 0 : index
      %get3A_349 = arith.constant 0 : index
      %get3A_350 = vector.load %arg5[%get3A_348, %get3A_349] : memref<128x1024xf32, #tpu.memory_space<vmem>>, vector<128x1024xf32>
      %swap3A_351 = arith.constant 0 : index
      %swap3A_352 = arith.constant 0 : index
      %swap3A_353 = vector.load %arg9[%swap3A_351, %swap3A_352] : memref<128x1024xf32, #tpu.memory_space<vmem>>, vector<128x1024xf32>
      tpu.vector_store %arg9[%swap3A_351, %swap3A_352], %get3A_350 {strides = array<i32>} : memref<128x1024xf32, #tpu.memory_space<vmem>>, vector<128x1024xf32>,
    } else {
    }
    %get3A = arith.constant 0 : index
    %get3A_2 = arith.constant 0 : index
    %get3A_3 = vector.load %arg4[%get3A, %get3A_2] : memref<2x3072xf32, #tpu.memory_space<vmem>>, vector<1x3072xf32>
    %get3A_4 = arith.constant 1 : index
    %get3A_5 = arith.constant 0 : index
    %get3A_6 = vector.load %arg4[%get3A_4, %get3A_5] : memref<2x3072xf32, #tpu.memory_space<vmem>>, vector<1x3072xf32>
    %get3A_7 = arith.constant 0 : index
    %get3A_8 = arith.constant 0 : index
    %get3A_9 = arith.constant 0 : index
    %get3A_10 = vector.load %arg1[%get3A_7, %get3A_8, %get3A_9] : memref<8x128x256xf32, #tpu.memory_space<vmem>>, vector<8x128x256xf32>
    %reshape3A = vector.shape_cast %get3A_10 : vector<8x128x256xf32> to vector<1024x256xf32>
    %convert_element_type3A_11 = arith.truncf %reshape3A : vector<1024x256xf32> to vector<1024x256xbf16>
    %get3A_12 = arith.constant 0 : index
    %get3A_13 = arith.constant 0 : index
    %get3A_14 = vector.load %arg2[%get3A_12, %get3A_13] : memref<256x3072xbf16, #tpu.memory_space<vmem>>, vector<256x3072xbf16>
    %dot_general3A = arith.constant dense<0.000000e+00> : vector<1024x3072xf32>
    %dot_general3A_15 = tpu.matmul %convert_element_type3A_11, %get3A_14, %dot_general3A {dimension_numbers = #tpu.dot_dimension_numbers<[1], [0], [0], [1], [0, 0, 1, 1], [], []>, transpose_lhs_hint = false} : vector<1024x256xbf16>, vector<256x3072xbf16>, vector<1024x3072xf32> -> vector<1024x3072xf32>
    %add3A = vector.broadcast %get3A_3 : vector<1x3072xf32> to vector<1024x3072xf32>
    %add3A_16 = arith.addf %dot_general3A_15, %add3A : vector<1024x3072xf32>
    %get3A_17 = arith.constant 0 : index
    %get3A_18 = arith.constant 0 : index
    %get3A_19 = vector.load %arg9[%get3A_17, %get3A_18] : memref<128x1024xf32, #tpu.memory_space<vmem>>, vector<128x1024xf32>
    %slice3A = vector.extract_strided_slice %add3A_16 {offsets = [0, 0], sizes = [128, 3072], strides = [1, 1]} : vector<1024x3072xf32> to vector<128x3072xf32>
    %convert_element_type3A_20 = arith.truncf %get3A_19 : vector<128x1024xf32> to vector<128x1024xbf16>
    %get3A_21 = arith.constant 0 : index
    %get3A_22 = arith.constant 0 : index
    %get3A_23 = vector.load %arg3[%get3A_21, %get3A_22] : memref<1024x3072xbf16, #tpu.memory_space<vmem>>, vector<1024x3072xbf16>
    %dot_general3A_24 = arith.constant dense<0.000000e+00> : vector<128x3072xf32>
    %dot_general3A_25 = tpu.matmul %convert_element_type3A_20, %get3A_23, %dot_general3A_24 {dimension_numbers = #tpu.dot_dimension_numbers<[1], [0], [0], [1], [0, 0, 1, 1], [], []>, transpose_lhs_hint = false} : vector<128x1024xbf16>, vector<1024x3072xbf16>, vector<128x3072xf32> -> vector<128x3072xf32>
    %add3A_26 = vector.broadcast %get3A_6 : vector<1x3072xf32> to vector<128x3072xf32>
    %add3A_27 = arith.addf %dot_general3A_25, %add3A_26 : vector<128x3072xf32>
    %slice3A_28 = vector.extract_strided_slice %slice3A {offsets = [0, 0], sizes = [128, 1024], strides = [1, 1]} : vector<128x3072xf32> to vector<128x1024xf32>
    %slice3A_29 = vector.extract_strided_slice %add3A_27 {offsets = [0, 0], sizes = [128, 1024], strides = [1, 1]} : vector<128x3072xf32> to vector<128x1024xf32>
    %add3A_30 = arith.addf %slice3A_28, %slice3A_29 : vector<128x1024xf32>
    %logistic3A = arith.negf %add3A_30 : vector<128x1024xf32>
    %logistic3A_31 = math.exp %logistic3A : vector<128x1024xf32>
    %logistic3A_32 = arith.constant 1.000000e+00 : f32
    %logistic3A_33 = vector.broadcast %logistic3A_32 : f32 to vector<128x1024xf32>
    %logistic3A_34 = arith.addf %logistic3A_33, %logistic3A_31 : vector<128x1024xf32>
    %logistic3A_35 = arith.divf %logistic3A_33, %logistic3A_34 : vector<128x1024xf32>
    %slice3A_36 = vector.extract_strided_slice %slice3A {offsets = [0, 1024], sizes = [128, 1024], strides = [1, 1]} : vector<128x3072xf32> to vector<128x1024xf32>
    %slice3A_37 = vector.extract_strided_slice %add3A_27 {offsets = [0, 1024], sizes = [128, 1024], strides = [1, 1]} : vector<128x3072xf32> to vector<128x1024xf32>
    %add3A_38 = arith.addf %slice3A_36, %slice3A_37 : vector<128x1024xf32>
    %logistic3A_39 = arith.negf %add3A_38 : vector<128x1024xf32>
    %logistic3A_40 = math.exp %logistic3A_39 : vector<128x1024xf32>
    %logistic3A_41 = arith.constant 1.000000e+00 : f32
    %logistic3A_42 = vector.broadcast %logistic3A_41 : f32 to vector<128x1024xf32>
    %logistic3A_43 = arith.addf %logistic3A_42, %logistic3A_40 : vector<128x1024xf32>
    %logistic3A_44 = arith.divf %logistic3A_42, %logistic3A_43 : vector<128x1024xf32>
    %slice3A_45 = vector.extract_strided_slice %slice3A {offsets = [0, 2048], sizes = [128, 1024], strides = [1, 1]} : vector<128x3072xf32> to vector<128x1024xf32>
    %slice3A_46 = vector.extract_strided_slice %add3A_27 {offsets = [0, 2048], sizes = [128, 1024], strides = [1, 1]} : vector<128x3072xf32> to vector<128x1024xf32>
    %mul3A = arith.mulf %logistic3A_44, %slice3A_46 : vector<128x1024xf32>
    %add3A_47 = arith.addf %slice3A_45, %mul3A : vector<128x1024xf32>
    %tanh3A = math.tanh %add3A_47 : vector<128x1024xf32>
    %sub3A = arith.subf %get3A_19, %tanh3A : vector<128x1024xf32>
    %mul3A_48 = arith.mulf %logistic3A_35, %sub3A : vector<128x1024xf32>
    %add3A_49 = arith.addf %tanh3A, %mul3A_48 : vector<128x1024xf32>
    %swap3A = arith.constant 0 : index
    %swap3A_50 = arith.constant 0 : index
    %swap3A_51 = arith.constant 0 : index
    %swap3A_52 = vector.load %arg7[%swap3A, %swap3A_50, %swap3A_51] : memref<128x8x1024xf32, #tpu.memory_space<vmem>>, vector<128x1x1024xf32>
    %swap3A_53 = vector.shape_cast %swap3A_52 : vector<128x1x1024xf32> to vector<128x1024xf32>
    %swap3A_54 = vector.shape_cast %add3A_49 : vector<128x1024xf32> to vector<128x1x1024xf32>
    tpu.vector_store %arg7[%swap3A, %swap3A_50, %swap3A_51], %swap3A_54 {strides = array<i32>} : memref<128x8x1024xf32, #tpu.memory_space<vmem>>, vector<128x1x1024xf32>,
    %slice3A_55 = vector.extract_strided_slice %add3A_16 {offsets = [128, 0], sizes = [128, 3072], strides = [1, 1]} : vector<1024x3072xf32> to vector<128x3072xf32>
    %convert_element_type3A_56 = arith.truncf %add3A_49 : vector<128x1024xf32> to vector<128x1024xbf16>
    %get3A_57 = arith.constant 0 : index
    %get3A_58 = arith.constant 0 : index
    %get3A_59 = vector.load %arg3[%get3A_57, %get3A_58] : memref<1024x3072xbf16, #tpu.memory_space<vmem>>, vector<1024x3072xbf16>
    %dot_general3A_60 = arith.constant dense<0.000000e+00> : vector<128x3072xf32>
    %dot_general3A_61 = tpu.matmul %convert_element_type3A_56, %get3A_59, %dot_general3A_60 {dimension_numbers = #tpu.dot_dimension_numbers<[1], [0], [0], [1], [0, 0, 1, 1], [], []>, transpose_lhs_hint = false} : vector<128x1024xbf16>, vector<1024x3072xbf16>, vector<128x3072xf32> -> vector<128x3072xf32>
    %add3A_62 = vector.broadcast %get3A_6 : vector<1x3072xf32> to vector<128x3072xf32>
    %add3A_63 = arith.addf %dot_general3A_61, %add3A_62 : vector<128x3072xf32>
    %slice3A_64 = vector.extract_strided_slice %slice3A_55 {offsets = [0, 0], sizes = [128, 1024], strides = [1, 1]} : vector<128x3072xf32> to vector<128x1024xf32>
    %slice3A_65 = vector.extract_strided_slice %add3A_63 {offsets = [0, 0], sizes = [128, 1024], strides = [1, 1]} : vector<128x3072xf32> to vector<128x1024xf32>
    %add3A_66 = arith.addf %slice3A_64, %slice3A_65 : vector<128x1024xf32>
    %logistic3A_67 = arith.negf %add3A_66 : vector<128x1024xf32>
    %logistic3A_68 = math.exp %logistic3A_67 : vector<128x1024xf32>
    %logistic3A_69 = arith.constant 1.000000e+00 : f32
    %logistic3A_70 = vector.broadcast %logistic3A_69 : f32 to vector<128x1024xf32>
    %logistic3A_71 = arith.addf %logistic3A_70, %logistic3A_68 : vector<128x1024xf32>
    %logistic3A_72 = arith.divf %logistic3A_70, %logistic3A_71 : vector<128x1024xf32>
    %slice3A_73 = vector.extract_strided_slice %slice3A_55 {offsets = [0, 1024], sizes = [128, 1024], strides = [1, 1]} : vector<128x3072xf32> to vector<128x1024xf32>
    %slice3A_74 = vector.extract_strided_slice %add3A_63 {offsets = [0, 1024], sizes = [128, 1024], strides = [1, 1]} : vector<128x3072xf32> to vector<128x1024xf32>
    %add3A_75 = arith.addf %slice3A_73, %slice3A_74 : vector<128x1024xf32>
    %logistic3A_76 = arith.negf %add3A_75 : vector<128x1024xf32>
    %logistic3A_77 = math.exp %logistic3A_76 : vector<128x1024xf32>
    %logistic3A_78 = arith.constant 1.000000e+00 : f32
    %logistic3A_79 = vector.broadcast %logistic3A_78 : f32 to vector<128x1024xf32>
    %logistic3A_80 = arith.addf %logistic3A_79, %logistic3A_77 : vector<128x1024xf32>
    %logistic3A_81 = arith.divf %logistic3A_79, %logistic3A_80 : vector<128x1024xf32>
    %slice3A_82 = vector.extract_strided_slice %slice3A_55 {offsets = [0, 2048], sizes = [128, 1024], strides = [1, 1]} : vector<128x3072xf32> to vector<128x1024xf32>
    %slice3A_83 = vector.extract_strided_slice %add3A_63 {offsets = [0, 2048], sizes = [128, 1024], strides = [1, 1]} : vector<128x3072xf32> to vector<128x1024xf32>
    %mul3A_84 = arith.mulf %logistic3A_81, %slice3A_83 : vector<128x1024xf32>
    %add3A_85 = arith.addf %slice3A_82, %mul3A_84 : vector<128x1024xf32>
    %tanh3A_86 = math.tanh %add3A_85 : vector<128x1024xf32>
    %sub3A_87 = arith.subf %add3A_49, %tanh3A_86 : vector<128x1024xf32>
    %mul3A_88 = arith.mulf %logistic3A_72, %sub3A_87 : vector<128x1024xf32>
    %add3A_89 = arith.addf %tanh3A_86, %mul3A_88 : vector<128x1024xf32>
    %swap3A_90 = arith.constant 0 : index
    %swap3A_91 = arith.constant 1 : index
    %swap3A_92 = arith.constant 0 : index
    %swap3A_93 = vector.load %arg7[%swap3A_90, %swap3A_91, %swap3A_92] : memref<128x8x1024xf32, #tpu.memory_space<vmem>>, vector<128x1x1024xf32>
    %swap3A_94 = vector.shape_cast %swap3A_93 : vector<128x1x1024xf32> to vector<128x1024xf32>
    %swap3A_95 = vector.shape_cast %add3A_89 : vector<128x1024xf32> to vector<128x1x1024xf32>
    tpu.vector_store %arg7[%swap3A_90, %swap3A_91, %swap3A_92], %swap3A_95 {strides = array<i32>} : memref<128x8x1024xf32, #tpu.memory_space<vmem>>, vector<128x1x1024xf32>,
    %slice3A_96 = vector.extract_strided_slice %add3A_16 {offsets = [256, 0], sizes = [128, 3072], strides = [1, 1]} : vector<1024x3072xf32> to vector<128x3072xf32>
    %convert_element_type3A_97 = arith.truncf %add3A_89 : vector<128x1024xf32> to vector<128x1024xbf16>
    %get3A_98 = arith.constant 0 : index
    %get3A_99 = arith.constant 0 : index
    %get3A_100 = vector.load %arg3[%get3A_98, %get3A_99] : memref<1024x3072xbf16, #tpu.memory_space<vmem>>, vector<1024x3072xbf16>
    %dot_general3A_101 = arith.constant dense<0.000000e+00> : vector<128x3072xf32>
    %dot_general3A_102 = tpu.matmul %convert_element_type3A_97, %get3A_100, %dot_general3A_101 {dimension_numbers = #tpu.dot_dimension_numbers<[1], [0], [0], [1], [0, 0, 1, 1], [], []>, transpose_lhs_hint = false} : vector<128x1024xbf16>, vector<1024x3072xbf16>, vector<128x3072xf32> -> vector<128x3072xf32>
    %add3A_103 = vector.broadcast %get3A_6 : vector<1x3072xf32> to vector<128x3072xf32>
    %add3A_104 = arith.addf %dot_general3A_102, %add3A_103 : vector<128x3072xf32>
    %slice3A_105 = vector.extract_strided_slice %slice3A_96 {offsets = [0, 0], sizes = [128, 1024], strides = [1, 1]} : vector<128x3072xf32> to vector<128x1024xf32>
    %slice3A_106 = vector.extract_strided_slice %add3A_104 {offsets = [0, 0], sizes = [128, 1024], strides = [1, 1]} : vector<128x3072xf32> to vector<128x1024xf32>
    %add3A_107 = arith.addf %slice3A_105, %slice3A_106 : vector<128x1024xf32>
    %logistic3A_108 = arith.negf %add3A_107 : vector<128x1024xf32>
    %logistic3A_109 = math.exp %logistic3A_108 : vector<128x1024xf32>
    %logistic3A_110 = arith.constant 1.000000e+00 : f32
    %logistic3A_111 = vector.broadcast %logistic3A_110 : f32 to vector<128x1024xf32>
    %logistic3A_112 = arith.addf %logistic3A_111, %logistic3A_109 : vector<128x1024xf32>
    %logistic3A_113 = arith.divf %logistic3A_111, %logistic3A_112 : vector<128x1024xf32>
    %slice3A_114 = vector.extract_strided_slice %slice3A_96 {offsets = [0, 1024], sizes = [128, 1024], strides = [1, 1]} : vector<128x3072xf32> to vector<128x1024xf32>
    %slice3A_115 = vector.extract_strided_slice %add3A_104 {offsets = [0, 1024], sizes = [128, 1024], strides = [1, 1]} : vector<128x3072xf32> to vector<128x1024xf32>
    %add3A_116 = arith.addf %slice3A_114, %slice3A_115 : vector<128x1024xf32>
    %logistic3A_117 = arith.negf %add3A_116 : vector<128x1024xf32>
    %logistic3A_118 = math.exp %logistic3A_117 : vector<128x1024xf32>
    %logistic3A_119 = arith.constant 1.000000e+00 : f32
    %logistic3A_120 = vector.broadcast %logistic3A_119 : f32 to vector<128x1024xf32>
    %logistic3A_121 = arith.addf %logistic3A_120, %logistic3A_118 : vector<128x1024xf32>
    %logistic3A_122 = arith.divf %logistic3A_120, %logistic3A_121 : vector<128x1024xf32>
    %slice3A_123 = vector.extract_strided_slice %slice3A_96 {offsets = [0, 2048], sizes = [128, 1024], strides = [1, 1]} : vector<128x3072xf32> to vector<128x1024xf32>
    %slice3A_124 = vector.extract_strided_slice %add3A_104 {offsets = [0, 2048], sizes = [128, 1024], strides = [1, 1]} : vector<128x3072xf32> to vector<128x1024xf32>
    %mul3A_125 = arith.mulf %logistic3A_122, %slice3A_124 : vector<128x1024xf32>
    %add3A_126 = arith.addf %slice3A_123, %mul3A_125 : vector<128x1024xf32>
    %tanh3A_127 = math.tanh %add3A_126 : vector<128x1024xf32>
    %sub3A_128 = arith.subf %add3A_89, %tanh3A_127 : vector<128x1024xf32>
    %mul3A_129 = arith.mulf %logistic3A_113, %sub3A_128 : vector<128x1024xf32>
    %add3A_130 = arith.addf %tanh3A_127, %mul3A_129 : vector<128x1024xf32>
    %swap3A_131 = arith.constant 0 : index
    %swap3A_132 = arith.constant 2 : index
    %swap3A_133 = arith.constant 0 : index
    %swap3A_134 = vector.load %arg7[%swap3A_131, %swap3A_132, %swap3A_133] : memref<128x8x1024xf32, #tpu.memory_space<vmem>>, vector<128x1x1024xf32>
    %swap3A_135 = vector.shape_cast %swap3A_134 : vector<128x1x1024xf32> to vector<128x1024xf32>
    %swap3A_136 = vector.shape_cast %add3A_130 : vector<128x1024xf32> to vector<128x1x1024xf32>
    tpu.vector_store %arg7[%swap3A_131, %swap3A_132, %swap3A_133], %swap3A_136 {strides = array<i32>} : memref<128x8x1024xf32, #tpu.memory_space<vmem>>, vector<128x1x1024xf32>,
    %slice3A_137 = vector.extract_strided_slice %add3A_16 {offsets = [384, 0], sizes = [128, 3072], strides = [1, 1]} : vector<1024x3072xf32> to vector<128x3072xf32>
    %convert_element_type3A_138 = arith.truncf %add3A_130 : vector<128x1024xf32> to vector<128x1024xbf16>
    %get3A_139 = arith.constant 0 : index
    %get3A_140 = arith.constant 0 : index
    %get3A_141 = vector.load %arg3[%get3A_139, %get3A_140] : memref<1024x3072xbf16, #tpu.memory_space<vmem>>, vector<1024x3072xbf16>
    %dot_general3A_142 = arith.constant dense<0.000000e+00> : vector<128x3072xf32>
    %dot_general3A_143 = tpu.matmul %convert_element_type3A_138, %get3A_141, %dot_general3A_142 {dimension_numbers = #tpu.dot_dimension_numbers<[1], [0], [0], [1], [0, 0, 1, 1], [], []>, transpose_lhs_hint = false} : vector<128x1024xbf16>, vector<1024x3072xbf16>, vector<128x3072xf32> -> vector<128x3072xf32>
    %add3A_144 = vector.broadcast %get3A_6 : vector<1x3072xf32> to vector<128x3072xf32>
    %add3A_145 = arith.addf %dot_general3A_143, %add3A_144 : vector<128x3072xf32>
    %slice3A_146 = vector.extract_strided_slice %slice3A_137 {offsets = [0, 0], sizes = [128, 1024], strides = [1, 1]} : vector<128x3072xf32> to vector<128x1024xf32>
    %slice3A_147 = vector.extract_strided_slice %add3A_145 {offsets = [0, 0], sizes = [128, 1024], strides = [1, 1]} : vector<128x3072xf32> to vector<128x1024xf32>
    %add3A_148 = arith.addf %slice3A_146, %slice3A_147 : vector<128x1024xf32>
    %logistic3A_149 = arith.negf %add3A_148 : vector<128x1024xf32>
    %logistic3A_150 = math.exp %logistic3A_149 : vector<128x1024xf32>
    %logistic3A_151 = arith.constant 1.000000e+00 : f32
    %logistic3A_152 = vector.broadcast %logistic3A_151 : f32 to vector<128x1024xf32>
    %logistic3A_153 = arith.addf %logistic3A_152, %logistic3A_150 : vector<128x1024xf32>
    %logistic3A_154 = arith.divf %logistic3A_152, %logistic3A_153 : vector<128x1024xf32>
    %slice3A_155 = vector.extract_strided_slice %slice3A_137 {offsets = [0, 1024], sizes = [128, 1024], strides = [1, 1]} : vector<128x3072xf32> to vector<128x1024xf32>
    %slice3A_156 = vector.extract_strided_slice %add3A_145 {offsets = [0, 1024], sizes = [128, 1024], strides = [1, 1]} : vector<128x3072xf32> to vector<128x1024xf32>
    %add3A_157 = arith.addf %slice3A_155, %slice3A_156 : vector<128x1024xf32>
    %logistic3A_158 = arith.negf %add3A_157 : vector<128x1024xf32>
    %logistic3A_159 = math.exp %logistic3A_158 : vector<128x1024xf32>
    %logistic3A_160 = arith.constant 1.000000e+00 : f32
    %logistic3A_161 = vector.broadcast %logistic3A_160 : f32 to vector<128x1024xf32>
    %logistic3A_162 = arith.addf %logistic3A_161, %logistic3A_159 : vector<128x1024xf32>
    %logistic3A_163 = arith.divf %logistic3A_161, %logistic3A_162 : vector<128x1024xf32>
    %slice3A_164 = vector.extract_strided_slice %slice3A_137 {offsets = [0, 2048], sizes = [128, 1024], strides = [1, 1]} : vector<128x3072xf32> to vector<128x1024xf32>
    %slice3A_165 = vector.extract_strided_slice %add3A_145 {offsets = [0, 2048], sizes = [128, 1024], strides = [1, 1]} : vector<128x3072xf32> to vector<128x1024xf32>
    %mul3A_166 = arith.mulf %logistic3A_163, %slice3A_165 : vector<128x1024xf32>
    %add3A_167 = arith.addf %slice3A_164, %mul3A_166 : vector<128x1024xf32>
    %tanh3A_168 = math.tanh %add3A_167 : vector<128x1024xf32>
    %sub3A_169 = arith.subf %add3A_130, %tanh3A_168 : vector<128x1024xf32>
    %mul3A_170 = arith.mulf %logistic3A_154, %sub3A_169 : vector<128x1024xf32>
    %add3A_171 = arith.addf %tanh3A_168, %mul3A_170 : vector<128x1024xf32>
    %swap3A_172 = arith.constant 0 : index
    %swap3A_173 = arith.constant 3 : index
    %swap3A_174 = arith.constant 0 : index
    %swap3A_175 = vector.load %arg7[%swap3A_172, %swap3A_173, %swap3A_174] : memref<128x8x1024xf32, #tpu.memory_space<vmem>>, vector<128x1x1024xf32>
    %swap3A_176 = vector.shape_cast %swap3A_175 : vector<128x1x1024xf32> to vector<128x1024xf32>
    %swap3A_177 = vector.shape_cast %add3A_171 : vector<128x1024xf32> to vector<128x1x1024xf32>
    tpu.vector_store %arg7[%swap3A_172, %swap3A_173, %swap3A_174], %swap3A_177 {strides = array<i32>} : memref<128x8x1024xf32, #tpu.memory_space<vmem>>, vector<128x1x1024xf32>,
    %slice3A_178 = vector.extract_strided_slice %add3A_16 {offsets = [512, 0], sizes = [128, 3072], strides = [1, 1]} : vector<1024x3072xf32> to vector<128x3072xf32>
    %convert_element_type3A_179 = arith.truncf %add3A_171 : vector<128x1024xf32> to vector<128x1024xbf16>
    %get3A_180 = arith.constant 0 : index
    %get3A_181 = arith.constant 0 : index
    %get3A_182 = vector.load %arg3[%get3A_180, %get3A_181] : memref<1024x3072xbf16, #tpu.memory_space<vmem>>, vector<1024x3072xbf16>
    %dot_general3A_183 = arith.constant dense<0.000000e+00> : vector<128x3072xf32>
    %dot_general3A_184 = tpu.matmul %convert_element_type3A_179, %get3A_182, %dot_general3A_183 {dimension_numbers = #tpu.dot_dimension_numbers<[1], [0], [0], [1], [0, 0, 1, 1], [], []>, transpose_lhs_hint = false} : vector<128x1024xbf16>, vector<1024x3072xbf16>, vector<128x3072xf32> -> vector<128x3072xf32>
    %add3A_185 = vector.broadcast %get3A_6 : vector<1x3072xf32> to vector<128x3072xf32>
    %add3A_186 = arith.addf %dot_general3A_184, %add3A_185 : vector<128x3072xf32>
    %slice3A_187 = vector.extract_strided_slice %slice3A_178 {offsets = [0, 0], sizes = [128, 1024], strides = [1, 1]} : vector<128x3072xf32> to vector<128x1024xf32>
    %slice3A_188 = vector.extract_strided_slice %add3A_186 {offsets = [0, 0], sizes = [128, 1024], strides = [1, 1]} : vector<128x3072xf32> to vector<128x1024xf32>
    %add3A_189 = arith.addf %slice3A_187, %slice3A_188 : vector<128x1024xf32>
    %logistic3A_190 = arith.negf %add3A_189 : vector<128x1024xf32>
    %logistic3A_191 = math.exp %logistic3A_190 : vector<128x1024xf32>
    %logistic3A_192 = arith.constant 1.000000e+00 : f32
    %logistic3A_193 = vector.broadcast %logistic3A_192 : f32 to vector<128x1024xf32>
    %logistic3A_194 = arith.addf %logistic3A_193, %logistic3A_191 : vector<128x1024xf32>
    %logistic3A_195 = arith.divf %logistic3A_193, %logistic3A_194 : vector<128x1024xf32>
    %slice3A_196 = vector.extract_strided_slice %slice3A_178 {offsets = [0, 1024], sizes = [128, 1024], strides = [1, 1]} : vector<128x3072xf32> to vector<128x1024xf32>
    %slice3A_197 = vector.extract_strided_slice %add3A_186 {offsets = [0, 1024], sizes = [128, 1024], strides = [1, 1]} : vector<128x3072xf32> to vector<128x1024xf32>
    %add3A_198 = arith.addf %slice3A_196, %slice3A_197 : vector<128x1024xf32>
    %logistic3A_199 = arith.negf %add3A_198 : vector<128x1024xf32>
    %logistic3A_200 = math.exp %logistic3A_199 : vector<128x1024xf32>
    %logistic3A_201 = arith.constant 1.000000e+00 : f32
    %logistic3A_202 = vector.broadcast %logistic3A_201 : f32 to vector<128x1024xf32>
    %logistic3A_203 = arith.addf %logistic3A_202, %logistic3A_200 : vector<128x1024xf32>
    %logistic3A_204 = arith.divf %logistic3A_202, %logistic3A_203 : vector<128x1024xf32>
    %slice3A_205 = vector.extract_strided_slice %slice3A_178 {offsets = [0, 2048], sizes = [128, 1024], strides = [1, 1]} : vector<128x3072xf32> to vector<128x1024xf32>
    %slice3A_206 = vector.extract_strided_slice %add3A_186 {offsets = [0, 2048], sizes = [128, 1024], strides = [1, 1]} : vector<128x3072xf32> to vector<128x1024xf32>
    %mul3A_207 = arith.mulf %logistic3A_204, %slice3A_206 : vector<128x1024xf32>
    %add3A_208 = arith.addf %slice3A_205, %mul3A_207 : vector<128x1024xf32>
    %tanh3A_209 = math.tanh %add3A_208 : vector<128x1024xf32>
    %sub3A_210 = arith.subf %add3A_171, %tanh3A_209 : vector<128x1024xf32>
    %mul3A_211 = arith.mulf %logistic3A_195, %sub3A_210 : vector<128x1024xf32>
    %add3A_212 = arith.addf %tanh3A_209, %mul3A_211 : vector<128x1024xf32>
    %swap3A_213 = arith.constant 0 : index
    %swap3A_214 = arith.constant 4 : index
    %swap3A_215 = arith.constant 0 : index
    %swap3A_216 = vector.load %arg7[%swap3A_213, %swap3A_214, %swap3A_215] : memref<128x8x1024xf32, #tpu.memory_space<vmem>>, vector<128x1x1024xf32>
    %swap3A_217 = vector.shape_cast %swap3A_216 : vector<128x1x1024xf32> to vector<128x1024xf32>
    %swap3A_218 = vector.shape_cast %add3A_212 : vector<128x1024xf32> to vector<128x1x1024xf32>
    tpu.vector_store %arg7[%swap3A_213, %swap3A_214, %swap3A_215], %swap3A_218 {strides = array<i32>} : memref<128x8x1024xf32, #tpu.memory_space<vmem>>, vector<128x1x1024xf32>,
    %slice3A_219 = vector.extract_strided_slice %add3A_16 {offsets = [640, 0], sizes = [128, 3072], strides = [1, 1]} : vector<1024x3072xf32> to vector<128x3072xf32>
    %convert_element_type3A_220 = arith.truncf %add3A_212 : vector<128x1024xf32> to vector<128x1024xbf16>
    %get3A_221 = arith.constant 0 : index
    %get3A_222 = arith.constant 0 : index
    %get3A_223 = vector.load %arg3[%get3A_221, %get3A_222] : memref<1024x3072xbf16, #tpu.memory_space<vmem>>, vector<1024x3072xbf16>
    %dot_general3A_224 = arith.constant dense<0.000000e+00> : vector<128x3072xf32>
    %dot_general3A_225 = tpu.matmul %convert_element_type3A_220, %get3A_223, %dot_general3A_224 {dimension_numbers = #tpu.dot_dimension_numbers<[1], [0], [0], [1], [0, 0, 1, 1], [], []>, transpose_lhs_hint = false} : vector<128x1024xbf16>, vector<1024x3072xbf16>, vector<128x3072xf32> -> vector<128x3072xf32>
    %add3A_226 = vector.broadcast %get3A_6 : vector<1x3072xf32> to vector<128x3072xf32>
    %add3A_227 = arith.addf %dot_general3A_225, %add3A_226 : vector<128x3072xf32>
    %slice3A_228 = vector.extract_strided_slice %slice3A_219 {offsets = [0, 0], sizes = [128, 1024], strides = [1, 1]} : vector<128x3072xf32> to vector<128x1024xf32>
    %slice3A_229 = vector.extract_strided_slice %add3A_227 {offsets = [0, 0], sizes = [128, 1024], strides = [1, 1]} : vector<128x3072xf32> to vector<128x1024xf32>
    %add3A_230 = arith.addf %slice3A_228, %slice3A_229 : vector<128x1024xf32>
    %logistic3A_231 = arith.negf %add3A_230 : vector<128x1024xf32>
    %logistic3A_232 = math.exp %logistic3A_231 : vector<128x1024xf32>
    %logistic3A_233 = arith.constant 1.000000e+00 : f32
    %logistic3A_234 = vector.broadcast %logistic3A_233 : f32 to vector<128x1024xf32>
    %logistic3A_235 = arith.addf %logistic3A_234, %logistic3A_232 : vector<128x1024xf32>
    %logistic3A_236 = arith.divf %logistic3A_234, %logistic3A_235 : vector<128x1024xf32>
    %slice3A_237 = vector.extract_strided_slice %slice3A_219 {offsets = [0, 1024], sizes = [128, 1024], strides = [1, 1]} : vector<128x3072xf32> to vector<128x1024xf32>
    %slice3A_238 = vector.extract_strided_slice %add3A_227 {offsets = [0, 1024], sizes = [128, 1024], strides = [1, 1]} : vector<128x3072xf32> to vector<128x1024xf32>
    %add3A_239 = arith.addf %slice3A_237, %slice3A_238 : vector<128x1024xf32>
    %logistic3A_240 = arith.negf %add3A_239 : vector<128x1024xf32>
    %logistic3A_241 = math.exp %logistic3A_240 : vector<128x1024xf32>
    %logistic3A_242 = arith.constant 1.000000e+00 : f32
    %logistic3A_243 = vector.broadcast %logistic3A_242 : f32 to vector<128x1024xf32>
    %logistic3A_244 = arith.addf %logistic3A_243, %logistic3A_241 : vector<128x1024xf32>
    %logistic3A_245 = arith.divf %logistic3A_243, %logistic3A_244 : vector<128x1024xf32>
    %slice3A_246 = vector.extract_strided_slice %slice3A_219 {offsets = [0, 2048], sizes = [128, 1024], strides = [1, 1]} : vector<128x3072xf32> to vector<128x1024xf32>
    %slice3A_247 = vector.extract_strided_slice %add3A_227 {offsets = [0, 2048], sizes = [128, 1024], strides = [1, 1]} : vector<128x3072xf32> to vector<128x1024xf32>
    %mul3A_248 = arith.mulf %logistic3A_245, %slice3A_247 : vector<128x1024xf32>
    %add3A_249 = arith.addf %slice3A_246, %mul3A_248 : vector<128x1024xf32>
    %tanh3A_250 = math.tanh %add3A_249 : vector<128x1024xf32>
    %sub3A_251 = arith.subf %add3A_212, %tanh3A_250 : vector<128x1024xf32>
    %mul3A_252 = arith.mulf %logistic3A_236, %sub3A_251 : vector<128x1024xf32>
    %add3A_253 = arith.addf %tanh3A_250, %mul3A_252 : vector<128x1024xf32>
    %swap3A_254 = arith.constant 0 : index
    %swap3A_255 = arith.constant 5 : index
    %swap3A_256 = arith.constant 0 : index
    %swap3A_257 = vector.load %arg7[%swap3A_254, %swap3A_255, %swap3A_256] : memref<128x8x1024xf32, #tpu.memory_space<vmem>>, vector<128x1x1024xf32>
    %swap3A_258 = vector.shape_cast %swap3A_257 : vector<128x1x1024xf32> to vector<128x1024xf32>
    %swap3A_259 = vector.shape_cast %add3A_253 : vector<128x1024xf32> to vector<128x1x1024xf32>
    tpu.vector_store %arg7[%swap3A_254, %swap3A_255, %swap3A_256], %swap3A_259 {strides = array<i32>} : memref<128x8x1024xf32, #tpu.memory_space<vmem>>, vector<128x1x1024xf32>,
    %slice3A_260 = vector.extract_strided_slice %add3A_16 {offsets = [768, 0], sizes = [128, 3072], strides = [1, 1]} : vector<1024x3072xf32> to vector<128x3072xf32>
    %convert_element_type3A_261 = arith.truncf %add3A_253 : vector<128x1024xf32> to vector<128x1024xbf16>
    %get3A_262 = arith.constant 0 : index
    %get3A_263 = arith.constant 0 : index
    %get3A_264 = vector.load %arg3[%get3A_262, %get3A_263] : memref<1024x3072xbf16, #tpu.memory_space<vmem>>, vector<1024x3072xbf16>
    %dot_general3A_265 = arith.constant dense<0.000000e+00> : vector<128x3072xf32>
    %dot_general3A_266 = tpu.matmul %convert_element_type3A_261, %get3A_264, %dot_general3A_265 {dimension_numbers = #tpu.dot_dimension_numbers<[1], [0], [0], [1], [0, 0, 1, 1], [], []>, transpose_lhs_hint = false} : vector<128x1024xbf16>, vector<1024x3072xbf16>, vector<128x3072xf32> -> vector<128x3072xf32>
    %add3A_267 = vector.broadcast %get3A_6 : vector<1x3072xf32> to vector<128x3072xf32>
    %add3A_268 = arith.addf %dot_general3A_266, %add3A_267 : vector<128x3072xf32>
    %slice3A_269 = vector.extract_strided_slice %slice3A_260 {offsets = [0, 0], sizes = [128, 1024], strides = [1, 1]} : vector<128x3072xf32> to vector<128x1024xf32>
    %slice3A_270 = vector.extract_strided_slice %add3A_268 {offsets = [0, 0], sizes = [128, 1024], strides = [1, 1]} : vector<128x3072xf32> to vector<128x1024xf32>
    %add3A_271 = arith.addf %slice3A_269, %slice3A_270 : vector<128x1024xf32>
    %logistic3A_272 = arith.negf %add3A_271 : vector<128x1024xf32>
    %logistic3A_273 = math.exp %logistic3A_272 : vector<128x1024xf32>
    %logistic3A_274 = arith.constant 1.000000e+00 : f32
    %logistic3A_275 = vector.broadcast %logistic3A_274 : f32 to vector<128x1024xf32>
    %logistic3A_276 = arith.addf %logistic3A_275, %logistic3A_273 : vector<128x1024xf32>
    %logistic3A_277 = arith.divf %logistic3A_275, %logistic3A_276 : vector<128x1024xf32>
    %slice3A_278 = vector.extract_strided_slice %slice3A_260 {offsets = [0, 1024], sizes = [128, 1024], strides = [1, 1]} : vector<128x3072xf32> to vector<128x1024xf32>
    %slice3A_279 = vector.extract_strided_slice %add3A_268 {offsets = [0, 1024], sizes = [128, 1024], strides = [1, 1]} : vector<128x3072xf32> to vector<128x1024xf32>
    %add3A_280 = arith.addf %slice3A_278, %slice3A_279 : vector<128x1024xf32>
    %logistic3A_281 = arith.negf %add3A_280 : vector<128x1024xf32>
    %logistic3A_282 = math.exp %logistic3A_281 : vector<128x1024xf32>
    %logistic3A_283 = arith.constant 1.000000e+00 : f32
    %logistic3A_284 = vector.broadcast %logistic3A_283 : f32 to vector<128x1024xf32>
    %logistic3A_285 = arith.addf %logistic3A_284, %logistic3A_282 : vector<128x1024xf32>
    %logistic3A_286 = arith.divf %logistic3A_284, %logistic3A_285 : vector<128x1024xf32>
    %slice3A_287 = vector.extract_strided_slice %slice3A_260 {offsets = [0, 2048], sizes = [128, 1024], strides = [1, 1]} : vector<128x3072xf32> to vector<128x1024xf32>
    %slice3A_288 = vector.extract_strided_slice %add3A_268 {offsets = [0, 2048], sizes = [128, 1024], strides = [1, 1]} : vector<128x3072xf32> to vector<128x1024xf32>
    %mul3A_289 = arith.mulf %logistic3A_286, %slice3A_288 : vector<128x1024xf32>
    %add3A_290 = arith.addf %slice3A_287, %mul3A_289 : vector<128x1024xf32>
    %tanh3A_291 = math.tanh %add3A_290 : vector<128x1024xf32>
    %sub3A_292 = arith.subf %add3A_253, %tanh3A_291 : vector<128x1024xf32>
    %mul3A_293 = arith.mulf %logistic3A_277, %sub3A_292 : vector<128x1024xf32>
    %add3A_294 = arith.addf %tanh3A_291, %mul3A_293 : vector<128x1024xf32>
    %swap3A_295 = arith.constant 0 : index
    %swap3A_296 = arith.constant 6 : index
    %swap3A_297 = arith.constant 0 : index
    %swap3A_298 = vector.load %arg7[%swap3A_295, %swap3A_296, %swap3A_297] : memref<128x8x1024xf32, #tpu.memory_space<vmem>>, vector<128x1x1024xf32>
    %swap3A_299 = vector.shape_cast %swap3A_298 : vector<128x1x1024xf32> to vector<128x1024xf32>
    %swap3A_300 = vector.shape_cast %add3A_294 : vector<128x1024xf32> to vector<128x1x1024xf32>
    tpu.vector_store %arg7[%swap3A_295, %swap3A_296, %swap3A_297], %swap3A_300 {strides = array<i32>} : memref<128x8x1024xf32, #tpu.memory_space<vmem>>, vector<128x1x1024xf32>,
    %slice3A_301 = vector.extract_strided_slice %add3A_16 {offsets = [896, 0], sizes = [128, 3072], strides = [1, 1]} : vector<1024x3072xf32> to vector<128x3072xf32>
    %convert_element_type3A_302 = arith.truncf %add3A_294 : vector<128x1024xf32> to vector<128x1024xbf16>
    %get3A_303 = arith.constant 0 : index
    %get3A_304 = arith.constant 0 : index
    %get3A_305 = vector.load %arg3[%get3A_303, %get3A_304] : memref<1024x3072xbf16, #tpu.memory_space<vmem>>, vector<1024x3072xbf16>
    %dot_general3A_306 = arith.constant dense<0.000000e+00> : vector<128x3072xf32>
    %dot_general3A_307 = tpu.matmul %convert_element_type3A_302, %get3A_305, %dot_general3A_306 {dimension_numbers = #tpu.dot_dimension_numbers<[1], [0], [0], [1], [0, 0, 1, 1], [], []>, transpose_lhs_hint = false} : vector<128x1024xbf16>, vector<1024x3072xbf16>, vector<128x3072xf32> -> vector<128x3072xf32>
    %add3A_308 = vector.broadcast %get3A_6 : vector<1x3072xf32> to vector<128x3072xf32>
    %add3A_309 = arith.addf %dot_general3A_307, %add3A_308 : vector<128x3072xf32>
    %slice3A_310 = vector.extract_strided_slice %slice3A_301 {offsets = [0, 0], sizes = [128, 1024], strides = [1, 1]} : vector<128x3072xf32> to vector<128x1024xf32>
    %slice3A_311 = vector.extract_strided_slice %add3A_309 {offsets = [0, 0], sizes = [128, 1024], strides = [1, 1]} : vector<128x3072xf32> to vector<128x1024xf32>
    %add3A_312 = arith.addf %slice3A_310, %slice3A_311 : vector<128x1024xf32>
    %logistic3A_313 = arith.negf %add3A_312 : vector<128x1024xf32>
    %logistic3A_314 = math.exp %logistic3A_313 : vector<128x1024xf32>
    %logistic3A_315 = arith.constant 1.000000e+00 : f32
    %logistic3A_316 = vector.broadcast %logistic3A_315 : f32 to vector<128x1024xf32>
    %logistic3A_317 = arith.addf %logistic3A_316, %logistic3A_314 : vector<128x1024xf32>
    %logistic3A_318 = arith.divf %logistic3A_316, %logistic3A_317 : vector<128x1024xf32>
    %slice3A_319 = vector.extract_strided_slice %slice3A_301 {offsets = [0, 1024], sizes = [128, 1024], strides = [1, 1]} : vector<128x3072xf32> to vector<128x1024xf32>
    %slice3A_320 = vector.extract_strided_slice %add3A_309 {offsets = [0, 1024], sizes = [128, 1024], strides = [1, 1]} : vector<128x3072xf32> to vector<128x1024xf32>
    %add3A_321 = arith.addf %slice3A_319, %slice3A_320 : vector<128x1024xf32>
    %logistic3A_322 = arith.negf %add3A_321 : vector<128x1024xf32>
    %logistic3A_323 = math.exp %logistic3A_322 : vector<128x1024xf32>
    %logistic3A_324 = arith.constant 1.000000e+00 : f32
    %logistic3A_325 = vector.broadcast %logistic3A_324 : f32 to vector<128x1024xf32>
    %logistic3A_326 = arith.addf %logistic3A_325, %logistic3A_323 : vector<128x1024xf32>
    %logistic3A_327 = arith.divf %logistic3A_325, %logistic3A_326 : vector<128x1024xf32>
    %slice3A_328 = vector.extract_strided_slice %slice3A_301 {offsets = [0, 2048], sizes = [128, 1024], strides = [1, 1]} : vector<128x3072xf32> to vector<128x1024xf32>
    %slice3A_329 = vector.extract_strided_slice %add3A_309 {offsets = [0, 2048], sizes = [128, 1024], strides = [1, 1]} : vector<128x3072xf32> to vector<128x1024xf32>
    %mul3A_330 = arith.mulf %logistic3A_327, %slice3A_329 : vector<128x1024xf32>
    %add3A_331 = arith.addf %slice3A_328, %mul3A_330 : vector<128x1024xf32>
    %tanh3A_332 = math.tanh %add3A_331 : vector<128x1024xf32>
    %sub3A_333 = arith.subf %add3A_294, %tanh3A_332 : vector<128x1024xf32>
    %mul3A_334 = arith.mulf %logistic3A_318, %sub3A_333 : vector<128x1024xf32>
    %add3A_335 = arith.addf %tanh3A_332, %mul3A_334 : vector<128x1024xf32>
    %swap3A_336 = arith.constant 0 : index
    %swap3A_337 = arith.constant 7 : index
    %swap3A_338 = arith.constant 0 : index
    %swap3A_339 = vector.load %arg7[%swap3A_336, %swap3A_337, %swap3A_338] : memref<128x8x1024xf32, #tpu.memory_space<vmem>>, vector<128x1x1024xf32>
    %swap3A_340 = vector.shape_cast %swap3A_339 : vector<128x1x1024xf32> to vector<128x1024xf32>
    %swap3A_341 = vector.shape_cast %add3A_335 : vector<128x1024xf32> to vector<128x1x1024xf32>
    tpu.vector_store %arg7[%swap3A_336, %swap3A_337, %swap3A_338], %swap3A_341 {strides = array<i32>} : memref<128x8x1024xf32, #tpu.memory_space<vmem>>, vector<128x1x1024xf32>,
    %swap3A_342 = arith.constant 0 : index
    %swap3A_343 = arith.constant 0 : index
    %swap3A_344 = vector.load %arg9[%swap3A_342, %swap3A_343] : memref<128x1024xf32, #tpu.memory_space<vmem>>, vector<128x1024xf32>
    tpu.vector_store %arg9[%swap3A_342, %swap3A_343], %add3A_335 {strides = array<i32>} : memref<128x1024xf32, #tpu.memory_space<vmem>>, vector<128x1024xf32>,
    %swap3A_345 = arith.constant 0 : index
    %swap3A_346 = arith.constant 0 : index
    %swap3A_347 = vector.load %arg8[%swap3A_345, %swap3A_346] : memref<128x1024xf32, #tpu.memory_space<vmem>>, vector<128x1024xf32>
    tpu.vector_store %arg8[%swap3A_345, %swap3A_346], %add3A_335 {strides = array<i32>} : memref<128x1024xf32, #tpu.memory_space<vmem>>, vector<128x1024xf32>,
    return
  }
  func.func @transform_0(%arg0: i32) -> (i32, i32, i32) {
    %c0_i32 = arith.constant 0 : i32
    %c0_i32_0 = arith.constant 0 : i32
    %c0_i32_1 = arith.constant 0 : i32
    return %arg0, %c0_i32, %c0_i32_0 : i32, i32, i32
  }
  func.func @transform_1(%arg0: i32) -> (i32, i32) {
    %c0_i32 = arith.constant 0 : i32
    %c0_i32_0 = arith.constant 0 : i32
    %c0_i32_1 = arith.constant 0 : i32
    return %c0_i32, %c0_i32_0 : i32, i32
  }
  func.func @transform_2(%arg0: i32) -> (i32, i32) {
    %c0_i32 = arith.constant 0 : i32
    %c0_i32_0 = arith.constant 0 : i32
    %c0_i32_1 = arith.constant 0 : i32
    return %c0_i32, %c0_i32_0 : i32, i32
  }
  func.func @transform_3(%arg0: i32) -> (i32, i32) {
    %c0_i32 = arith.constant 0 : i32
    %c0_i32_0 = arith.constant 0 : i32
    %c0_i32_1 = arith.constant 0 : i32
    return %c0_i32, %c0_i32_0 : i32, i32
  }
  func.func @transform_4(%arg0: i32) -> (i32, i32) {
    %c0_i32 = arith.constant 0 : i32
    %c0_i32_0 = arith.constant 0 : i32
    %c0_i32_1 = arith.constant 0 : i32
    return %c0_i32, %c0_i32_0 : i32, i32
  }
  func.func @transform_6(%arg0: i32) -> (i32, i32, i32) {
    %add3A = arith.constant 3 : i32
    %add3A_0 = arith.addi %arg0, %add3A : i32
    %c0_i32 = arith.constant 0 : i32
    %c0_i32_1 = arith.constant 0 : i32
    %c0_i32_2 = arith.constant 0 : i32
    return %c0_i32, %add3A_0, %c0_i32_1 : i32, i32, i32
  }
  func.func @transform_7(%arg0: i32) -> (i32, i32) {
    %c0_i32 = arith.constant 0 : i32
    %c0_i32_0 = arith.constant 0 : i32
    %c0_i32_1 = arith.constant 0 : i32
    return %c0_i32, %c0_i32_0 : i32, i32
  }
}

</mosaic_0001>

<sc_bundles>
// kernel: kernel.10.cloned.1.call-start
scs
__scs_entry_jumppad:
0x0: {  	(pc) =	sbr.rel $0x88, $3  }
0x1: {  	(tag) =	ssettag $0x0;
	lr =	simm.s32 $0x1  }
0x2: {  	[smem:$0x3F9C] =	sst lr;
	_ =	strace $0xD0000000  }
0x3: {  	_ = 	snop  }
0x4: {  	_ = 	snop  }
0x5: {  	_ = 	snop  }
0x6: {  	_ = 	snop  }
0x7: {  	_ = 	snop  }
__scs_overlays_trampoline_lowered:
0x8: {  	[smem:$0x3FAB] =	sst s0  }
0x9: {  	[smem:$0x3FAC] =	sst s1  }
0xa: {  	[smem:$0x3FAD] =	sst s2  }
0xb: {  	[smem:$0x3FAE] =	sst s3  }
0xc: {  	[smem:$0x3FAF] =	sst s4  }
0xd: {  	[smem:$0x3FB0] =	sst s5  }
0xe: {  	[smem:$0x3FB1] =	sst s6  }
0xf: {  	[smem:$0x3FB2] =	sst s7  }
0x10: {  	[smem:$0x3FB3] =	sst s8  }
0x11: {  	[smem:$0x3FB4] =	sst s9;
	s0 =	simm.s32 @!p0 $0x0  }
0x12: {  	s1 =	sld [smem:$0x3F9A];
	s0 =	simm.s32 @p0 $0x1  }
0x13: {  	[smem:$0x3FB5] =	sst s0;
	s0 =	simm.s32 @!p1 $0x0  }
0x14: {  	s2 =	sld [smem:$0x3F99];
	s0 =	simm.s32 @p1 $0x1  }
0x15: {  	[smem:$0x3FB6] =	sst s0;
	s0 =	simm.s32 @!p2 $0x0  }
0x16: {  	s3 =	sld [smem:$0x3FDB];
	s0 =	simm.s32 @p2 $0x1  }
0x17: {  	s4 =	simm.s32 $0x1BF5;
	[smem:$0x3FB8] =	sst s0  }
0x18: {  	s0 =	sld [smem:$0x3F9B];
	_ =	swait.ge [sflag:s4], $0x0  }
0x19: {  	s7 =	sld [smem:$0x3F9C]  }
0x1a: {  	s8 =	sadd.s32 $0xFFFFE003, lr  }
0x1b: {  	s9 =	sadd.s32 $0xFFFFFEF7, lr;
	s5 =	simm.s32 $0xFFFFFFFF;
	p2 =	slt.u32 s8, $0xFFFFF086  }
0x1c: {  	p1 =	slt.u32 s9, $0xF7A;
	s5 =	simm.s32 @!p2 $0x0  }
0x1d: {  	s5 =	simm.s32 @p1 $0x1;
	p0 =	seq.s32 s7, s2  }
0x1e: {  	s7 =	smul.u32 @!p0 $0xF7A, s2;
	p2 =	seq.s32 @!p0 s5, $0x0  }
0x1f: {  	s9 =	smul.u32 $0xF7A, s1;
	s8 =	simm.s32 @!p0 $0x1BF5;
	p2 =	por !p2, p0  }
0x20: {  	[sflag:s8] =	ssyncset.s32 @!p0 $0xFFFFF086;
	s6 =	sadd.s32 @!p0 s3, s7;
	s7 =	simm.s32 @!p0 $0x108  }
0x21: {  	s3 =	sadd.s32 s3, s9;
	s6 =	sadd.s32 @!p0 $0x88, s6;
	s7 =	simm.s32 @p2 $0x1082  }
0x22: {  	[simem:s7], [sflag:s8] =	dma.local @!p0 [hbm:s6], $0xF7A  }
0x23: {  	s9 =	sor.u32 $0xD0000000, s2;
	s6 =	simm.s32 $0x108;
	_ =	swait.ge @!p0 [sflag:s8], $0x0  }
0x24: {  	s3 =	sadd.s32 $0x88, s3;
	s6 =	simm.s32 @!p1 $0x1082;
	[sflag:s4] =	ssyncset.s32 $0xFFFFF086  }
0x25: {  	[simem:s6], [sflag:s4] =	dma.local [hbm:s3], $0xF7A  }
0x26: {  	[smem:$0x3F9C] =	sst s1;
	(tag) =	ssettag s2;
	_ =	strace s9  }
0x27: {  	s1 =	sld [smem:$0x3FAC]  }
0x28: {  	s2 =	sld [smem:$0x3FAD]  }
0x29: {  	s4 =	sld [smem:$0x3FAF]  }
0x2a: {  	p0 =	seq.s32 s5, $0x0;
	s5 =	sld [smem:$0x3FB0]  }
0x2b: {  	s6 =	sld [smem:$0x3FB1]  }
0x2c: {  	s7 =	sld [smem:$0x3FB2]  }
0x2d: {  	s3 =	simm.s32 $0x108;
	s8 =	sld [smem:$0x3FB3]  }
0x2e: {  	s3 =	simm.s32 @!p0 $0x1082;
	s9 =	sld [smem:$0x3FB4]  }
0x2f: {  	lr =	sadd.s32 s0, s3;
	s0 =	sld [smem:$0x3FAB]  }
0x30: {  	s3 =	sld [smem:$0x3FAE]  }
0x31: {  	[smem:$0x3FB7] =	sst s10  }
0x32: {  	s10 =	sld [smem:$0x3FB5];
	_ =	sdelay $0x3  }
0x33: {  	p0 =	seq.s32 s10, $0x1;
	s10 =	sld [smem:$0x3FB7];
	_ =	sdelay $0x3  }
0x34: {  	[smem:$0x3FB7] =	sst s10  }
0x35: {  	s10 =	sld [smem:$0x3FB6];
	_ =	sdelay $0x3  }
0x36: {  	p1 =	seq.s32 s10, $0x1;
	s10 =	sld [smem:$0x3FB7];
	_ =	sdelay $0x3  }
0x37: {  	[smem:$0x3FB7] =	sst s10  }
0x38: {  	s10 =	sld [smem:$0x3FB8]  }
0x39: {  	_ = 	snop;
	(pc) =	sbr.ind lr, $3  }
0x3a: {  	_ = 	snop  }
0x3b: {  	_ = 	snop  }
0x3c: {  	p2 =	seq.s32 s10, $0x1;
	s10 =	sld [smem:$0x3FB7]  }
0x3d: {  	_ =	shalt  }
0x3e: {  	_ =	shalt  }
0x3f: {  	_ =	shalt  }
0x40: {  	_ =	shalt  }
0x41: {  	_ =	shalt  }
0x42: {  	_ =	shalt  }
0x43: {  	_ =	shalt  }
0x44: {  	_ =	shalt  }
0x45: {  	_ =	shalt  }
0x46: {  	_ =	shalt  }
0x47: {  	_ =	shalt  }
0x48: {  	_ =	shalt  }
0x49: {  	_ =	shalt  }
0x4a: {  	_ =	shalt  }
0x4b: {  	_ =	shalt  }
0x4c: {  	_ =	shalt  }
0x4d: {  	_ =	shalt  }
0x4e: {  	_ =	shalt  }
0x4f: {  	_ =	shalt  }
0x50: {  	_ =	shalt  }
0x51: {  	_ =	shalt  }
0x52: {  	_ =	shalt  }
0x53: {  	_ =	shalt  }
0x54: {  	_ =	shalt  }
0x55: {  	_ =	shalt  }
0x56: {  	_ =	shalt  }
0x57: {  	_ =	shalt  }
0x58: {  	_ =	shalt  }
0x59: {  	_ =	shalt  }
0x5a: {  	_ =	shalt  }
0x5b: {  	_ =	shalt  }
0x5c: {  	_ =	shalt  }
0x5d: {  	_ =	shalt  }
0x5e: {  	_ =	shalt  }
0x5f: {  	_ =	shalt  }
0x60: {  	_ =	shalt  }
0x61: {  	_ =	shalt  }
0x62: {  	_ =	shalt  }
0x63: {  	_ =	shalt  }
0x64: {  	_ =	shalt  }
0x65: {  	_ =	shalt  }
0x66: {  	_ =	shalt  }
0x67: {  	_ =	shalt  }
0x68: {  	_ =	shalt  }
0x69: {  	_ =	shalt  }
0x6a: {  	_ =	shalt  }
0x6b: {  	_ =	shalt  }
0x6c: {  	_ =	shalt  }
0x6d: {  	_ =	shalt  }
0x6e: {  	_ =	shalt  }
0x6f: {  	_ =	shalt  }
0x70: {  	_ =	shalt  }
0x71: {  	_ =	shalt  }
0x72: {  	_ =	shalt  }
0x73: {  	_ =	shalt  }
0x74: {  	_ =	shalt  }
0x75: {  	_ =	shalt  }
0x76: {  	_ =	shalt  }
0x77: {  	_ =	shalt  }
0x78: {  	_ =	shalt  }
0x79: {  	_ =	shalt  }
0x7a: {  	_ =	shalt  }
0x7b: {  	_ =	shalt  }
0x7c: {  	_ =	shalt  }
0x7d: {  	_ =	shalt  }
0x7e: {  	_ =	shalt  }
0x7f: {  	_ =	shalt  }
0x80: {  	_ =	shalt  }
0x81: {  	_ =	shalt  }
0x82: {  	_ =	shalt  }
0x83: {  	_ =	shalt  }
0x84: {  	_ =	shalt  }
0x85: {  	_ =	shalt  }
0x86: {  	_ =	shalt  }
0x87: {  	_ =	shalt  }
.Lfunc_end0:
.L_simem_size_0:
called_computation.1_lowered:
.L_overlay_start_0:
0x88: {  	s2 =	sld [smem:$0x3FD9]  }
0x89: {  	s3 =	sld [smem:$0x3FFE];
	_ =	sdelay $0x1  }
0x8a: {  	s1 =	srdreg.scid  }
0x8b: {  	s0 =	sand.u32 $0x1, s1  }
0x8c: {  	s15 =	sshll.u32 s0, $0xA;
	s2 =	sadd.s32 s3, s2  }
0x8d: {  	s2 =	sadd.s32 s2, s15  }
0x8e: {  	[smem:$0x3FC3] =	sst s2  }
0x8f: {  	_ = 	snop  }
0x90: {  	s16 =	sld [smem:$0x3FD0];
	_ =	sdelay $0x2  }
0x91: {  	s4 =	simm.s32 $0xB;
	s5 =	simm.s32 $0x10;
	s2 =	sld [smem:$0x3FC8]  }
0x92: {  	[smem:s5], [sflag:s4] =	dma.local [hbm:s16], $0x1  }
0x93: {  	_ =	swait.eq [sflag:s4], $0x1  }
0x94: {  	[sflag:s4] =	ssyncset.done $0x0  }
0x95: {  	[sflag:s4] =	ssyncadd.s32 $0xFFFFFFFF  }
0x96: {  	s17 =	sld [smem:$0x11];
	(tm) =	ssettm $0x1  }
0x97: {  	s18 =	sld [smem:$0x3FFB];
	_ =	sdelay $0x3  }
0x98: {  	_ =	strace s18  }
0x99: {  	s3 =	sld [smem:$0x3FFC];
	_ =	sdelay $0x3  }
0x9a: {  	_ =	strace s3  }
0x9b: {  	s3 =	sld [smem:$0x3FFD];
	_ =	sdelay $0x3  }
0x9c: {  	_ =	strace s3  }
0x9d: {  	_ =	strace $0x8FFFFFFF  }
0x9e: {  	s19 =	sld [smem:$0x3FDB];
	_ =	sdelay $0x1  }
0x9f: {  	s20 =	simm.s32 $_scs_section_size  }
0xa0: {  	s6 =	simm.s32 $_size__tile_overlayer_lowered;
	s7 =	simm.s32 $_tile_overlayer_lowered  }
0xa1: {  	s8 =	simm.s32 $0x1BFF;
	s21 =	sshll.u32 s7, $0x1;
	s5 =	sadd.s32 s20, s19  }
0xa2: {  	s22 =	simm.s32 $0x0;
	s6 =	sshll.u32 s6, $0x1;
	s7 =	sadd.s32 s21, s5  }
0xa3: {  	[timem:s22], [sflag:s8] =	dma.local [hbm:s7], s6  }
0xa4: {  	_ =	swait.ge [sflag:s8], s6  }
0xa5: {  	s6 =	ssub.s32 $0x0, s6;
	[sflag:s8] =	ssyncset.done $0x0  }
0xa6: {  	[sflag:s8] =	ssyncadd.s32 s6;
	_ =	sdelay $0x1  }
0xa7: {  	s23 =	simm.s32 $0x1B8B  }
0xa8: {  	_ =	swait.ge [sflag:s23], $0x1  }
0xa9: {  	[sflag:s23] =	ssyncset.done $0x0  }
0xaa: {  	[sflag:s23] =	ssyncadd.s32 $0xFFFFFFFF  }
0xab: {  	s6 =	sld [smem:$0x0]  }
0xac: {  	s7 =	sand.u32 $0xFFFFFFFE, s1  }
0xad: {  	p0 =	sne.s32 s1, s7  }
0xae: {  	s7 =	sshll.u32 @p0 s7, $0xE  }
0xaf: {  	s7 =	sadd.s32 @p0 $0x11B8D, s7;
	s8 =	sshll.u32 @p0 s6, $0x11  }
0xb0: {  	s7 =	sor.u32 @p0 s8, s7  }
0xb1: {  	[sflag:s7] =	ssyncadd.remote.s32 @p0 $0x1;
	_ =	sdelay $0x1  }
0xb2: {  	s7 =	simm.s32 @p0 $0x1B8D  }
0xb3: {  	_ =	swait.eq @p0 [sflag:s7], $0x1  }
0xb4: {  	[sflag:s7] =	ssyncadd.s32 @p0 $0xFFFFFFFF  }
0xb5: {  	s8 =	sshll.u32 @!p0 s1, $0xE  }
0xb6: {  	s8 =	sor.u32 @!p0 $0x4000, s8;
	s7 =	simm.s32 @!p0 $0x1B8D  }
0xb7: {  	s6 =	sshll.u32 @!p0 s6, $0x11;
	s8 =	sadd.s32 @!p0 $0x11B8D, s8;
	_ =	swait.eq @!p0 [sflag:s7], $0x1  }
0xb8: {  	s6 =	sor.u32 @!p0 s6, s8;
	[sflag:s7] =	ssyncadd.s32 @!p0 $0xFFFFFFFF  }
0xb9: {  	s25 =	simm.s32 $0x1B8E;
	s24 =	sld [smem:$0x3FFE];
	[sflag:s6] =	ssyncadd.remote.s32 @!p0 $0x1  }
0xba: {  	s26 =	simm.s32 $execute0_lowered;
	[smem:$0x3FD2] =	sst s25  }
0xbb: {  	s7 =	sshll.u32 s26, $0x1;
	_ =	strace $0x80000049;
	[dreg:$0x1] =	wrdreg $0xFFFFFFFF  }
0xbc: {  	s28 =	simm.s32 $_size_execute0_lowered;
	s5 =	sadd.s32 s5, s7;
	[dreg:$0x0] =	wrdreg $0x0  }
0xbd: {  	s7 =	sshll.u32 s28, $0x1;
	[dreg:$0x2] =	wrdreg s5  }
0xbe: {  	[dreg:$0x3] =	wrdreg s7  }
0xbf: {  	[dreg:$0x4] =	wrdreg $0xC0  }
0xc0: {  	_ =	task [dreg:s22], $0x5FFFF  }
0xc1: {  	[dreg:$0x1] =	wrdreg $0xFFFFFFFF  }
0xc2: {  	[dreg:$0x0] =	wrdreg $0x60  }
0xc3: {  	[dreg:$0x2] =	wrdreg s17  }
0xc4: {  	[dreg:$0x3] =	wrdreg s2  }
0xc5: {  	[dreg:$0x4] =	wrdreg s24  }
0xc6: {  	[dreg:$0x5] =	wrdreg $0xA  }
0xc7: {  	_ =	task.clear_ibuf [dreg:s22], $0x6FFFF;
	_ =	strace $0x90000049  }
0xc8: {  	s29 =	simm.s32 $0xA;
	_ =	strace $0x8000004B  }
0xc9: {  	_ =	swait.ge [sflag:s29], $0x1  }
0xca: {  	[sflag:s29] =	ssyncadd.s32 $0xFFFFFFFF  }
0xcb: {  	_ =	strace $0x9000004B  }
0xcc: {  	_ =	sfence  }
0xcd: {  	s30 =	sld [smem:$0x0];
	_ =	sdelay $0x2  }
0xce: {  	s31 =	sshll.u32 s1, $0xD;
	s1 =	sshrl.u32 s1, $0x2  }
0xcf: {  	s4 =	sand.u32 $0x4000, s31;
	s1 =	sadd.s32 s1, s30  }
0xd0: {  	s0 =	sor.u32 s4, s0;
	s1 =	sshll.u32 s1, $0x11  }
0xd1: {  	s0 =	sor.u32 s1, s0  }
0xd2: {  	s0 =	sadd.s32 $0x8F2B, s0  }
0xd3: {  	[sflag:s0] =	ssyncadd.remote.s32 $0x1  }
0xd4: {  	_ =	sfence.sel $0xFFFF  }
0xd5: {  	[dreg:$0x0] =	wrdreg $0xFFFFFFFF;
	(pc) =	sbr.abs _section_cstart, $3  }
0xd6: {  	[dreg:$0x1] =	wrdreg $0xFFFFFFFF  }
0xd7: {  	_ =	task.clear_ibuf [dreg:s22], $0x2FFFF;
	_ =	strace $0x9FFFFFFF  }
0xd8: {  	(tm) =	ssettm $0x7FFFFFFF  }
0xd9: {  	_ =	shalt  }
tec
execute0_lowered:
.L_overlay_start_1:
0x0: {  	(tag) =	ssettag $0x1  }
0x1: {  	s1 =	rddreg [dreg:$0x0]  }
0x2: {  	s3 =	srdreg.scid;
	s2 =	rddreg [dreg:$0x1]  }
0x3: {  	s0 =	stileid.u32;
	s5 =	rddreg [dreg:$0x2];
	s9 =	simm.s32 $0x1B00  }
0x4: {  	s10 =	simm.s32 $0x2300;
	s11 =	simm.s32 $0x2B00;
	s12 =	simm.s32 $0x3300  }
0x5: {  	s13 =	simm.s32 $0x3B00;
	s14 =	simm.s32 $0x4300;
	s15 =	simm.s32 $0x4B00  }
0x6: {  	s28 =	simm.s32 $0xA300;
	s29 =	simm.s32 $0xAB00;
	s30 =	simm.s32 $0x2  }
0x7: {  	s31 =	simm.s32 $0x3;
	s4 =	sand.u32 $0x1, s3;
	s16 =	sshll.u32 s0, $0x1  }
0x8: {  	s3 =	simm.s32 $0x0;
	s5 =	sadd.s32 $0x1600, s5;
	s6 =	sor.u32 s4, s16  }
0x9: {  	[smem:$0x7FF] =	sst s3;
	s4 =	ssub.s32 $0x2, s4;
	s7 =	smul.u32 $0x58, s6  }
0xa: {  	s16 =	simm.s32 $0x5300;
	s8 =	smul.u32 $0x2C000, s6;
	s24 =	sshrl.u32 s4, $0x1  }
0xb: {  	_ =	strace $0x8000004A;
	s6 =	smul.u32 $0x5800, s6;
	s4 =	ssub.s32 s4, s24  }
0xc: {  	s24 =	simm.s32 $0x8B00;
	s1 =	sadd.s32 s1, s7;
	s17 =	sshrl.u32 s8, $0x3  }
0xd: {  	s18 =	sadd.s32 s5, s6;
	[dreg:$0x4] =	wrdreg s1;
	s5 =	sadd.s32 s5, s17  }
0xe: {  	s4 =	smax.u32 s4, $0x1;
	[dreg:$0x5] =	wrdreg s18;
	s19 =	sadd.s32 $0xB00, s5  }
0xf: {  	s6 =	simm.s32 $0x300;
	s20 =	sadd.s32 $0x1600, s5;
	[dreg:$0x6] =	wrdreg s19  }
0x10: {  	s7 =	simm.s32 $0xB00;
	s21 =	sadd.s32 $0x2100, s5;
	[dreg:$0x7] =	wrdreg s20  }
0x11: {  	s8 =	simm.s32 $0x1300;
	s22 =	sadd.s32 $0x2C00, s5;
	[dreg:$0x8] =	wrdreg s21  }
0x12: {  	s17 =	simm.s32 $0x1;
	s23 =	sadd.s32 $0x3700, s5;
	[dreg:$0x9] =	wrdreg s22  }
0x13: {  	s18 =	simm.s32 $0x5B00;
	s25 =	sadd.s32 $0x4200, s5;
	[dreg:$0xa] =	wrdreg s23  }
0x14: {  	s1 =	simm.s32 $0x4;
	s26 =	sadd.s32 $0x4D00, s5;
	[dreg:$0xb] =	wrdreg s25  }
0x15: {  	v2 =	vlaneseq.u32;
	s5 =	simm.s32 $0x5;
	[dreg:$0xc] =	wrdreg s26;
	s19 =	simm.s32 $0x6300  }
0x16: {  	vm0 =	vmmov $0xffff;
	v1 =	vshrl.u32 v2, $0x3;
	s20 =	simm.s32 $0x6B00;
	s21 =	simm.s32 $0x7300;
	s22 =	simm.s32 $0x7B00  }
0x17: {  	v0 =	vand.u32 $0x7, v2;
	v2 =	vor.u32 $0x8, v2;
	v1 =	vmul.u32 $0x8, v1;
	s23 =	simm.s32 $0x8300;
	s25 =	simm.s32 $0x9300;
	s26 =	simm.s32 $0x9B00  }
.LBB2_1:
0x18: {  	s0 =	rddreg [dreg:$0x4]  }
0x19: {  	[tilespmem:s3], [sflag:$0x5] =	stream.linear.gather [hbm4b:s0+s3], $0x2C0, $0x38;
	[tilespmem:$0xB300] =	vst v63  }
0x1a: {  	_ =	swait.ge [sflag:s5], $0x2C0  }
0x1b: {  	[sflag:s5] =	ssyncset.done $0x0  }
0x1c: {  	[sflag:s5] =	ssyncadd.s32 $0xFFFFFD40  }
0x1d: {  	v3 =	vld [tilespmem:$0x0];
	_ =	sdelay $0x4  }
0x1e: {  	v4 =	vshll.u32 v3, $0x1  }
0x1f: {  	v3 =	vand.u32 $0x7, v3;
	v4 =	vand.u32 $0xFFFFFFF0, v4  }
0x20: {  	v3 =	vor.u32 v3, v4  }
0x21: {  	v4 =	vperm.xlane v3, v0;
	_ =	sdelay $0x1  }
0x22: {  	v3 =	vperm.xlane v3, v2;
	v4 =	vadd.s32 v1, v4;
	_ =	sdelay $0x1  }
0x23: {  	v3 =	vadd.s32 v1, v3;
	_ =	sdelay $0x2  }
0x24: {  	[tilespmem:s6], [sflag:$0x1] =	stream.indirect_vreg.gather [hbm4b:s2+s3], $0x80, v4, vm0, $0xb8;
	[tilespmem:$0xB300] =	vst v63  }
0x25: {  	_ = 	snop  }
0x26: {  	[tilespmem:s7], [sflag:$0x1] =	stream.indirect_vreg.gather [hbm4b:s2+s3], $0x80, v3, vm0, $0xb8;
	[tilespmem:$0xB300] =	vst v63  }
0x27: {  	v3 =	vld [tilespmem:$0x10];
	_ =	sdelay $0x4  }
0x28: {  	v17 =	vshll.u32 v3, $0x1  }
0x29: {  	v3 =	vand.u32 $0x7, v3;
	v4 =	vand.u32 $0xFFFFFFF0, v17  }
0x2a: {  	v3 =	vor.u32 v3, v4  }
0x2b: {  	v4 =	vperm.xlane v3, v0;
	_ =	sdelay $0x1  }
0x2c: {  	v3 =	vperm.xlane v3, v2;
	v4 =	vadd.s32 v1, v4;
	_ =	sdelay $0x1  }
0x2d: {  	v3 =	vadd.s32 v1, v3;
	_ =	sdelay $0x2  }
0x2e: {  	[tilespmem:s8], [sflag:$0x1] =	stream.indirect_vreg.gather [hbm4b:s2+s3], $0x80, v4, vm0, $0xb8;
	[tilespmem:$0xB300] =	vst v63  }
0x2f: {  	_ = 	snop  }
0x30: {  	[tilespmem:s9], [sflag:$0x1] =	stream.indirect_vreg.gather [hbm4b:s2+s3], $0x80, v3, vm0, $0xb8;
	[tilespmem:$0xB300] =	vst v63  }
0x31: {  	v3 =	vld [tilespmem:$0x20];
	_ =	sdelay $0x4  }
0x32: {  	v18 =	vshll.u32 v3, $0x1  }
0x33: {  	v3 =	vand.u32 $0x7, v3;
	v4 =	vand.u32 $0xFFFFFFF0, v18  }
0x34: {  	v3 =	vor.u32 v3, v4  }
0x35: {  	v4 =	vperm.xlane v3, v0;
	_ =	sdelay $0x1  }
0x36: {  	v3 =	vperm.xlane v3, v2;
	v4 =	vadd.s32 v1, v4;
	_ =	sdelay $0x1  }
0x37: {  	v3 =	vadd.s32 v1, v3;
	_ =	sdelay $0x2  }
0x38: {  	[tilespmem:s10], [sflag:$0x1] =	stream.indirect_vreg.gather [hbm4b:s2+s3], $0x80, v4, vm0, $0xb8;
	[tilespmem:$0xB300] =	vst v63  }
0x39: {  	_ = 	snop  }
0x3a: {  	[tilespmem:s11], [sflag:$0x1] =	stream.indirect_vreg.gather [hbm4b:s2+s3], $0x80, v3, vm0, $0xb8;
	[tilespmem:$0xB300] =	vst v63  }
0x3b: {  	v3 =	vld [tilespmem:$0x30];
	_ =	sdelay $0x4  }
0x3c: {  	v19 =	vshll.u32 v3, $0x1  }
0x3d: {  	v3 =	vand.u32 $0x7, v3;
	v4 =	vand.u32 $0xFFFFFFF0, v19  }
0x3e: {  	v3 =	vor.u32 v3, v4  }
0x3f: {  	v4 =	vperm.xlane v3, v0;
	_ =	sdelay $0x1  }
0x40: {  	v3 =	vperm.xlane v3, v2;
	v4 =	vadd.s32 v1, v4;
	_ =	sdelay $0x1  }
0x41: {  	v3 =	vadd.s32 v1, v3;
	_ =	sdelay $0x2  }
0x42: {  	[tilespmem:s12], [sflag:$0x1] =	stream.indirect_vreg.gather [hbm4b:s2+s3], $0x80, v4, vm0, $0xb8;
	[tilespmem:$0xB300] =	vst v63  }
0x43: {  	_ = 	snop  }
0x44: {  	[tilespmem:s13], [sflag:$0x1] =	stream.indirect_vreg.gather [hbm4b:s2+s3], $0x80, v3, vm0, $0xb8;
	[tilespmem:$0xB300] =	vst v63  }
0x45: {  	v3 =	vld [tilespmem:$0x40];
	_ =	sdelay $0x4  }
0x46: {  	v20 =	vshll.u32 v3, $0x1  }
0x47: {  	v3 =	vand.u32 $0x7, v3;
	v4 =	vand.u32 $0xFFFFFFF0, v20  }
0x48: {  	v3 =	vor.u32 v3, v4  }
0x49: {  	v4 =	vperm.xlane v3, v0;
	_ =	sdelay $0x1  }
0x4a: {  	v3 =	vperm.xlane v3, v2;
	v4 =	vadd.s32 v1, v4;
	_ =	sdelay $0x1  }
0x4b: {  	v3 =	vadd.s32 v1, v3;
	_ =	sdelay $0x2  }
0x4c: {  	[tilespmem:s14], [sflag:$0x1] =	stream.indirect_vreg.gather [hbm4b:s2+s3], $0x80, v4, vm0, $0xb8;
	[tilespmem:$0xB300] =	vst v63  }
0x4d: {  	_ = 	snop  }
0x4e: {  	[tilespmem:s15], [sflag:$0x1] =	stream.indirect_vreg.gather [hbm4b:s2+s3], $0x80, v3, vm0, $0xb8;
	[tilespmem:$0xB300] =	vst v63  }
0x4f: {  	v3 =	vld.msk [tilespmem:$0x50], $0xff;
	_ =	sdelay $0x4  }
0x50: {  	v21 =	vshll.u32 v3, $0x1  }
0x51: {  	v3 =	vand.u32 $0x7, v3;
	v4 =	vand.u32 $0xFFFFFFF0, v21  }
0x52: {  	v3 =	vor.u32 v3, v4  }
0x53: {  	v3 =	vperm.xlane v3, v0;
	_ =	sdelay $0x1  }
0x54: {  	v3 =	vadd.s32 v1, v3;
	_ =	sdelay $0x4  }
0x55: {  	[tilespmem:s16], [sflag:$0x1] =	stream.indirect_vreg.gather [hbm4b:s2+s3], $0x80, v3, vm0, $0xb8;
	[tilespmem:$0xB300] =	vst v63  }
0x56: {  	_ =	swait.ge [sflag:s17], $0x5800  }
0x57: {  	[sflag:s17] =	ssyncset.done $0x0  }
0x58: {  	s0 =	rddreg [dreg:$0x5];
	[sflag:s17] =	ssyncadd.s32 $0xFFFFA800  }
0x59: {  	[hbm4b:s0+s3] =	stream.linear.scatter [tilespmem:s6], [sflag:$0x3], $0x5800, $0x38;
	[tilespmem:$0xB300] =	vst v63  }
0x5a: {  	v3 =	vld [tilespmem:$0x58];
	_ =	sdelay $0x4  }
0x5b: {  	v22 =	vshll.u32 v3, $0x1  }
0x5c: {  	v3 =	vand.u32 $0x7, v3;
	v4 =	vand.u32 $0xFFFFFFF0, v22  }
0x5d: {  	v3 =	vor.u32 v3, v4  }
0x5e: {  	v4 =	vperm.xlane v3, v0;
	_ =	sdelay $0x1  }
0x5f: {  	v3 =	vperm.xlane v3, v2;
	v4 =	vadd.s32 v1, v4;
	_ =	sdelay $0x1  }
0x60: {  	v3 =	vadd.s32 v1, v3;
	_ =	sdelay $0x2  }
0x61: {  	[tilespmem:s18], [sflag:$0x2] =	stream.indirect_vreg.gather [hbm4b:s2+s3], $0x80, v4, vm0, $0xb8;
	[tilespmem:$0xB300] =	vst v63  }
0x62: {  	_ = 	snop  }
0x63: {  	[tilespmem:s19], [sflag:$0x2] =	stream.indirect_vreg.gather [hbm4b:s2+s3], $0x80, v3, vm0, $0xb8;
	[tilespmem:$0xB300] =	vst v63  }
0x64: {  	v3 =	vld [tilespmem:$0x68];
	_ =	sdelay $0x4  }
0x65: {  	v23 =	vshll.u32 v3, $0x1  }
0x66: {  	v3 =	vand.u32 $0x7, v3;
	v4 =	vand.u32 $0xFFFFFFF0, v23  }
0x67: {  	v3 =	vor.u32 v3, v4  }
0x68: {  	v4 =	vperm.xlane v3, v0;
	_ =	sdelay $0x1  }
0x69: {  	v3 =	vperm.xlane v3, v2;
	v4 =	vadd.s32 v1, v4;
	_ =	sdelay $0x1  }
0x6a: {  	v3 =	vadd.s32 v1, v3;
	_ =	sdelay $0x2  }
0x6b: {  	[tilespmem:s20], [sflag:$0x2] =	stream.indirect_vreg.gather [hbm4b:s2+s3], $0x80, v4, vm0, $0xb8;
	[tilespmem:$0xB300] =	vst v63  }
0x6c: {  	_ = 	snop  }
0x6d: {  	[tilespmem:s21], [sflag:$0x2] =	stream.indirect_vreg.gather [hbm4b:s2+s3], $0x80, v3, vm0, $0xb8;
	[tilespmem:$0xB300] =	vst v63  }
0x6e: {  	v3 =	vld [tilespmem:$0x78];
	_ =	sdelay $0x4  }
0x6f: {  	v24 =	vshll.u32 v3, $0x1  }
0x70: {  	v3 =	vand.u32 $0x7, v3;
	v4 =	vand.u32 $0xFFFFFFF0, v24  }
0x71: {  	v3 =	vor.u32 v3, v4  }
0x72: {  	v4 =	vperm.xlane v3, v0;
	_ =	sdelay $0x1  }
0x73: {  	v3 =	vperm.xlane v3, v2;
	v4 =	vadd.s32 v1, v4;
	_ =	sdelay $0x1  }
0x74: {  	v3 =	vadd.s32 v1, v3;
	_ =	sdelay $0x2  }
0x75: {  	[tilespmem:s22], [sflag:$0x2] =	stream.indirect_vreg.gather [hbm4b:s2+s3], $0x80, v4, vm0, $0xb8;
	[tilespmem:$0xB300] =	vst v63  }
0x76: {  	_ = 	snop  }
0x77: {  	[tilespmem:s23], [sflag:$0x2] =	stream.indirect_vreg.gather [hbm4b:s2+s3], $0x80, v3, vm0, $0xb8;
	[tilespmem:$0xB300] =	vst v63  }
0x78: {  	v3 =	vld [tilespmem:$0x88];
	_ =	sdelay $0x4  }
0x79: {  	v25 =	vshll.u32 v3, $0x1  }
0x7a: {  	v3 =	vand.u32 $0x7, v3;
	v4 =	vand.u32 $0xFFFFFFF0, v25  }
0x7b: {  	v3 =	vor.u32 v3, v4  }
0x7c: {  	v4 =	vperm.xlane v3, v0;
	_ =	sdelay $0x1  }
0x7d: {  	v3 =	vperm.xlane v3, v2;
	v4 =	vadd.s32 v1, v4;
	_ =	sdelay $0x1  }
0x7e: {  	v3 =	vadd.s32 v1, v3;
	_ =	sdelay $0x2  }
0x7f: {  	[tilespmem:s24], [sflag:$0x2] =	stream.indirect_vreg.gather [hbm4b:s2+s3], $0x80, v4, vm0, $0xb8;
	[tilespmem:$0xB300] =	vst v63  }
0x80: {  	_ = 	snop  }
0x81: {  	[tilespmem:s25], [sflag:$0x2] =	stream.indirect_vreg.gather [hbm4b:s2+s3], $0x80, v3, vm0, $0xb8;
	[tilespmem:$0xB300] =	vst v63  }
0x82: {  	v3 =	vld [tilespmem:$0x98];
	_ =	sdelay $0x4  }
0x83: {  	v26 =	vshll.u32 v3, $0x1  }
0x84: {  	v3 =	vand.u32 $0x7, v3;
	v4 =	vand.u32 $0xFFFFFFF0, v26  }
0x85: {  	v3 =	vor.u32 v3, v4  }
0x86: {  	v4 =	vperm.xlane v3, v0;
	_ =	sdelay $0x1  }
0x87: {  	v3 =	vperm.xlane v3, v2;
	v4 =	vadd.s32 v1, v4;
	_ =	sdelay $0x1  }
0x88: {  	v3 =	vadd.s32 v1, v3;
	_ =	sdelay $0x2  }
0x89: {  	[tilespmem:s26], [sflag:$0x2] =	stream.indirect_vreg.gather [hbm4b:s2+s3], $0x80, v4, vm0, $0xb8;
	[tilespmem:$0xB300] =	vst v63  }
0x8a: {  	_ = 	snop  }
0x8b: {  	[tilespmem:s28], [sflag:$0x2] =	stream.indirect_vreg.gather [hbm4b:s2+s3], $0x80, v3, vm0, $0xb8;
	[tilespmem:$0xB300] =	vst v63  }
0x8c: {  	v3 =	vld.msk [tilespmem:$0xA8], $0xff;
	_ =	sdelay $0x4  }
0x8d: {  	v27 =	vshll.u32 v3, $0x1  }
0x8e: {  	v3 =	vand.u32 $0x7, v3;
	v4 =	vand.u32 $0xFFFFFFF0, v27  }
0x8f: {  	v3 =	vor.u32 v3, v4  }
0x90: {  	v3 =	vperm.xlane v3, v0;
	_ =	sdelay $0x1  }
0x91: {  	v3 =	vadd.s32 v1, v3;
	_ =	sdelay $0x4  }
0x92: {  	[tilespmem:s29], [sflag:$0x2] =	stream.indirect_vreg.gather [hbm4b:s2+s3], $0x80, v3, vm0, $0xb8;
	[tilespmem:$0xB300] =	vst v63  }
0x93: {  	_ =	swait.ge [sflag:s30], $0x5800  }
0x94: {  	[sflag:s30] =	ssyncset.done $0x0  }
0x95: {  	s0 =	rddreg [dreg:$0x6];
	[sflag:s30] =	ssyncadd.s32 $0xFFFFA800  }
0x96: {  	[hbm4b:s0+s3] =	stream.linear.scatter [tilespmem:s18], [sflag:$0x4], $0x5800, $0x38;
	[tilespmem:$0xB300] =	vst v63  }
0x97: {  	_ =	swait.ge [sflag:s31], $0x5800  }
0x98: {  	[sflag:s31] =	ssyncset.done $0x0  }
0x99: {  	[sflag:s31] =	ssyncadd.s32 $0xFFFFA800  }
0x9a: {  	v3 =	vld [tilespmem:$0xB0];
	_ =	sdelay $0x4  }
0x9b: {  	v28 =	vshll.u32 v3, $0x1  }
0x9c: {  	v3 =	vand.u32 $0x7, v3;
	v4 =	vand.u32 $0xFFFFFFF0, v28  }
0x9d: {  	v3 =	vor.u32 v3, v4  }
0x9e: {  	v4 =	vperm.xlane v3, v0;
	_ =	sdelay $0x1  }
0x9f: {  	v3 =	vperm.xlane v3, v2;
	v4 =	vadd.s32 v1, v4;
	_ =	sdelay $0x1  }
0xa0: {  	v3 =	vadd.s32 v1, v3;
	_ =	sdelay $0x2  }
0xa1: {  	[tilespmem:s6], [sflag:$0x1] =	stream.indirect_vreg.gather [hbm4b:s2+s3], $0x80, v4, vm0, $0xb8;
	[tilespmem:$0xB300] =	vst v63  }
0xa2: {  	_ = 	snop  }
0xa3: {  	[tilespmem:s7], [sflag:$0x1] =	stream.indirect_vreg.gather [hbm4b:s2+s3], $0x80, v3, vm0, $0xb8;
	[tilespmem:$0xB300] =	vst v63  }
0xa4: {  	v3 =	vld [tilespmem:$0xC0];
	_ =	sdelay $0x4  }
0xa5: {  	v29 =	vshll.u32 v3, $0x1  }
0xa6: {  	v3 =	vand.u32 $0x7, v3;
	v4 =	vand.u32 $0xFFFFFFF0, v29  }
0xa7: {  	v3 =	vor.u32 v3, v4  }
0xa8: {  	v4 =	vperm.xlane v3, v0;
	_ =	sdelay $0x1  }
0xa9: {  	v3 =	vperm.xlane v3, v2;
	v4 =	vadd.s32 v1, v4;
	_ =	sdelay $0x1  }
0xaa: {  	v3 =	vadd.s32 v1, v3;
	_ =	sdelay $0x2  }
0xab: {  	[tilespmem:s8], [sflag:$0x1] =	stream.indirect_vreg.gather [hbm4b:s2+s3], $0x80, v4, vm0, $0xb8;
	[tilespmem:$0xB300] =	vst v63  }
0xac: {  	_ = 	snop  }
0xad: {  	[tilespmem:s9], [sflag:$0x1] =	stream.indirect_vreg.gather [hbm4b:s2+s3], $0x80, v3, vm0, $0xb8;
	[tilespmem:$0xB300] =	vst v63  }
0xae: {  	v3 =	vld [tilespmem:$0xD0];
	_ =	sdelay $0x4  }
0xaf: {  	v30 =	vshll.u32 v3, $0x1  }
0xb0: {  	v3 =	vand.u32 $0x7, v3;
	v4 =	vand.u32 $0xFFFFFFF0, v30  }
0xb1: {  	v3 =	vor.u32 v3, v4  }
0xb2: {  	v4 =	vperm.xlane v3, v0;
	_ =	sdelay $0x1  }
0xb3: {  	v3 =	vperm.xlane v3, v2;
	v4 =	vadd.s32 v1, v4;
	_ =	sdelay $0x1  }
0xb4: {  	v3 =	vadd.s32 v1, v3;
	_ =	sdelay $0x2  }
0xb5: {  	[tilespmem:s10], [sflag:$0x1] =	stream.indirect_vreg.gather [hbm4b:s2+s3], $0x80, v4, vm0, $0xb8;
	[tilespmem:$0xB300] =	vst v63  }
0xb6: {  	_ = 	snop  }
0xb7: {  	[tilespmem:s11], [sflag:$0x1] =	stream.indirect_vreg.gather [hbm4b:s2+s3], $0x80, v3, vm0, $0xb8;
	[tilespmem:$0xB300] =	vst v63  }
0xb8: {  	v3 =	vld [tilespmem:$0xE0];
	_ =	sdelay $0x4  }
0xb9: {  	v31 =	vshll.u32 v3, $0x1  }
0xba: {  	v3 =	vand.u32 $0x7, v3;
	v4 =	vand.u32 $0xFFFFFFF0, v31  }
0xbb: {  	v3 =	vor.u32 v3, v4  }
0xbc: {  	v4 =	vperm.xlane v3, v0;
	_ =	sdelay $0x1  }
0xbd: {  	v3 =	vperm.xlane v3, v2;
	v4 =	vadd.s32 v1, v4;
	_ =	sdelay $0x1  }
0xbe: {  	v3 =	vadd.s32 v1, v3;
	_ =	sdelay $0x2  }
0xbf: {  	[tilespmem:s12], [sflag:$0x1] =	stream.indirect_vreg.gather [hbm4b:s2+s3], $0x80, v4, vm0, $0xb8;
	[tilespmem:$0xB300] =	vst v63  }
0xc0: {  	_ = 	snop  }
0xc1: {  	[tilespmem:s13], [sflag:$0x1] =	stream.indirect_vreg.gather [hbm4b:s2+s3], $0x80, v3, vm0, $0xb8;
	[tilespmem:$0xB300] =	vst v63  }
0xc2: {  	v3 =	vld [tilespmem:$0xF0];
	_ =	sdelay $0x4  }
0xc3: {  	v32 =	vshll.u32 v3, $0x1  }
0xc4: {  	v3 =	vand.u32 $0x7, v3;
	v4 =	vand.u32 $0xFFFFFFF0, v32  }
0xc5: {  	v3 =	vor.u32 v3, v4  }
0xc6: {  	v4 =	vperm.xlane v3, v0;
	_ =	sdelay $0x1  }
0xc7: {  	v3 =	vperm.xlane v3, v2;
	v4 =	vadd.s32 v1, v4;
	_ =	sdelay $0x1  }
0xc8: {  	v3 =	vadd.s32 v1, v3;
	_ =	sdelay $0x2  }
0xc9: {  	[tilespmem:s14], [sflag:$0x1] =	stream.indirect_vreg.gather [hbm4b:s2+s3], $0x80, v4, vm0, $0xb8;
	[tilespmem:$0xB300] =	vst v63  }
0xca: {  	_ = 	snop  }
0xcb: {  	[tilespmem:s15], [sflag:$0x1] =	stream.indirect_vreg.gather [hbm4b:s2+s3], $0x80, v3, vm0, $0xb8;
	[tilespmem:$0xB300] =	vst v63  }
0xcc: {  	v3 =	vld.msk [tilespmem:$0x100], $0xff;
	_ =	sdelay $0x4  }
0xcd: {  	v33 =	vshll.u32 v3, $0x1  }
0xce: {  	v3 =	vand.u32 $0x7, v3;
	v4 =	vand.u32 $0xFFFFFFF0, v33  }
0xcf: {  	v3 =	vor.u32 v3, v4  }
0xd0: {  	v3 =	vperm.xlane v3, v0;
	_ =	sdelay $0x1  }
0xd1: {  	v3 =	vadd.s32 v1, v3;
	_ =	sdelay $0x4  }
0xd2: {  	[tilespmem:s16], [sflag:$0x1] =	stream.indirect_vreg.gather [hbm4b:s2+s3], $0x80, v3, vm0, $0xb8;
	[tilespmem:$0xB300] =	vst v63  }
0xd3: {  	_ =	swait.ge [sflag:s17], $0x5800  }
0xd4: {  	[sflag:s17] =	ssyncset.done $0x0  }
0xd5: {  	s0 =	rddreg [dreg:$0x7];
	[sflag:s17] =	ssyncadd.s32 $0xFFFFA800  }
0xd6: {  	[hbm4b:s0+s3] =	stream.linear.scatter [tilespmem:s6], [sflag:$0x3], $0x5800, $0x38;
	[tilespmem:$0xB300] =	vst v63  }
0xd7: {  	_ =	swait.ge [sflag:s1], $0x5800  }
0xd8: {  	[sflag:s1] =	ssyncset.done $0x0  }
0xd9: {  	[sflag:s1] =	ssyncadd.s32 $0xFFFFA800  }
0xda: {  	v3 =	vld [tilespmem:$0x108];
	_ =	sdelay $0x4  }
0xdb: {  	v34 =	vshll.u32 v3, $0x1  }
0xdc: {  	v3 =	vand.u32 $0x7, v3;
	v4 =	vand.u32 $0xFFFFFFF0, v34  }
0xdd: {  	v3 =	vor.u32 v3, v4  }
0xde: {  	v4 =	vperm.xlane v3, v0;
	_ =	sdelay $0x1  }
0xdf: {  	v3 =	vperm.xlane v3, v2;
	v4 =	vadd.s32 v1, v4;
	_ =	sdelay $0x1  }
0xe0: {  	v3 =	vadd.s32 v1, v3;
	_ =	sdelay $0x2  }
0xe1: {  	[tilespmem:s18], [sflag:$0x2] =	stream.indirect_vreg.gather [hbm4b:s2+s3], $0x80, v4, vm0, $0xb8;
	[tilespmem:$0xB300] =	vst v63  }
0xe2: {  	_ = 	snop  }
0xe3: {  	[tilespmem:s19], [sflag:$0x2] =	stream.indirect_vreg.gather [hbm4b:s2+s3], $0x80, v3, vm0, $0xb8;
	[tilespmem:$0xB300] =	vst v63  }
0xe4: {  	v3 =	vld [tilespmem:$0x118];
	_ =	sdelay $0x4  }
0xe5: {  	v35 =	vshll.u32 v3, $0x1  }
0xe6: {  	v3 =	vand.u32 $0x7, v3;
	v4 =	vand.u32 $0xFFFFFFF0, v35  }
0xe7: {  	v3 =	vor.u32 v3, v4  }
0xe8: {  	v4 =	vperm.xlane v3, v0;
	_ =	sdelay $0x1  }
0xe9: {  	v3 =	vperm.xlane v3, v2;
	v4 =	vadd.s32 v1, v4;
	_ =	sdelay $0x1  }
0xea: {  	v3 =	vadd.s32 v1, v3;
	_ =	sdelay $0x2  }
0xeb: {  	[tilespmem:s20], [sflag:$0x2] =	stream.indirect_vreg.gather [hbm4b:s2+s3], $0x80, v4, vm0, $0xb8;
	[tilespmem:$0xB300] =	vst v63  }
0xec: {  	_ = 	snop  }
0xed: {  	[tilespmem:s21], [sflag:$0x2] =	stream.indirect_vreg.gather [hbm4b:s2+s3], $0x80, v3, vm0, $0xb8;
	[tilespmem:$0xB300] =	vst v63  }
0xee: {  	v3 =	vld [tilespmem:$0x128];
	_ =	sdelay $0x4  }
0xef: {  	v36 =	vshll.u32 v3, $0x1  }
0xf0: {  	v3 =	vand.u32 $0x7, v3;
	v4 =	vand.u32 $0xFFFFFFF0, v36  }
0xf1: {  	v3 =	vor.u32 v3, v4  }
0xf2: {  	v4 =	vperm.xlane v3, v0;
	_ =	sdelay $0x1  }
0xf3: {  	v3 =	vperm.xlane v3, v2;
	v4 =	vadd.s32 v1, v4;
	_ =	sdelay $0x1  }
0xf4: {  	v3 =	vadd.s32 v1, v3;
	_ =	sdelay $0x2  }
0xf5: {  	[tilespmem:s22], [sflag:$0x2] =	stream.indirect_vreg.gather [hbm4b:s2+s3], $0x80, v4, vm0, $0xb8;
	[tilespmem:$0xB300] =	vst v63  }
0xf6: {  	_ = 	snop  }
0xf7: {  	[tilespmem:s23], [sflag:$0x2] =	stream.indirect_vreg.gather [hbm4b:s2+s3], $0x80, v3, vm0, $0xb8;
	[tilespmem:$0xB300] =	vst v63  }
0xf8: {  	v3 =	vld [tilespmem:$0x138];
	_ =	sdelay $0x4  }
0xf9: {  	v37 =	vshll.u32 v3, $0x1  }
0xfa: {  	v3 =	vand.u32 $0x7, v3;
	v4 =	vand.u32 $0xFFFFFFF0, v37  }
0xfb: {  	v3 =	vor.u32 v3, v4  }
0xfc: {  	v4 =	vperm.xlane v3, v0;
	_ =	sdelay $0x1  }
0xfd: {  	v3 =	vperm.xlane v3, v2;
	v4 =	vadd.s32 v1, v4;
	_ =	sdelay $0x1  }
0xfe: {  	v3 =	vadd.s32 v1, v3;
	_ =	sdelay $0x2  }
0xff: {  	[tilespmem:s24], [sflag:$0x2] =	stream.indirect_vreg.gather [hbm4b:s2+s3], $0x80, v4, vm0, $0xb8;
	[tilespmem:$0xB300] =	vst v63  }
0x100: {  	_ = 	snop  }
0x101: {  	[tilespmem:s25], [sflag:$0x2] =	stream.indirect_vreg.gather [hbm4b:s2+s3], $0x80, v3, vm0, $0xb8;
	[tilespmem:$0xB300] =	vst v63  }
0x102: {  	v3 =	vld [tilespmem:$0x148];
	_ =	sdelay $0x4  }
0x103: {  	v38 =	vshll.u32 v3, $0x1  }
0x104: {  	v3 =	vand.u32 $0x7, v3;
	v4 =	vand.u32 $0xFFFFFFF0, v38  }
0x105: {  	v3 =	vor.u32 v3, v4  }
0x106: {  	v4 =	vperm.xlane v3, v0;
	_ =	sdelay $0x1  }
0x107: {  	v3 =	vperm.xlane v3, v2;
	v4 =	vadd.s32 v1, v4;
	_ =	sdelay $0x1  }
0x108: {  	v3 =	vadd.s32 v1, v3;
	_ =	sdelay $0x2  }
0x109: {  	[tilespmem:s26], [sflag:$0x2] =	stream.indirect_vreg.gather [hbm4b:s2+s3], $0x80, v4, vm0, $0xb8;
	[tilespmem:$0xB300] =	vst v63  }
0x10a: {  	_ = 	snop  }
0x10b: {  	[tilespmem:s28], [sflag:$0x2] =	stream.indirect_vreg.gather [hbm4b:s2+s3], $0x80, v3, vm0, $0xb8;
	[tilespmem:$0xB300] =	vst v63  }
0x10c: {  	v3 =	vld.msk [tilespmem:$0x158], $0xff;
	_ =	sdelay $0x4  }
0x10d: {  	v39 =	vshll.u32 v3, $0x1  }
0x10e: {  	v3 =	vand.u32 $0x7, v3;
	v4 =	vand.u32 $0xFFFFFFF0, v39  }
0x10f: {  	v3 =	vor.u32 v3, v4  }
0x110: {  	v3 =	vperm.xlane v3, v0;
	_ =	sdelay $0x1  }
0x111: {  	v3 =	vadd.s32 v1, v3;
	_ =	sdelay $0x4  }
0x112: {  	[tilespmem:s29], [sflag:$0x2] =	stream.indirect_vreg.gather [hbm4b:s2+s3], $0x80, v3, vm0, $0xb8;
	[tilespmem:$0xB300] =	vst v63  }
0x113: {  	_ =	swait.ge [sflag:s30], $0x5800  }
0x114: {  	[sflag:s30] =	ssyncset.done $0x0  }
0x115: {  	s0 =	rddreg [dreg:$0x8];
	[sflag:s30] =	ssyncadd.s32 $0xFFFFA800  }
0x116: {  	[hbm4b:s0+s3] =	stream.linear.scatter [tilespmem:s18], [sflag:$0x4], $0x5800, $0x38;
	[tilespmem:$0xB300] =	vst v63  }
0x117: {  	_ =	swait.ge [sflag:s31], $0x5800  }
0x118: {  	[sflag:s31] =	ssyncset.done $0x0  }
0x119: {  	[sflag:s31] =	ssyncadd.s32 $0xFFFFA800  }
0x11a: {  	v3 =	vld [tilespmem:$0x160];
	_ =	sdelay $0x4  }
0x11b: {  	v40 =	vshll.u32 v3, $0x1  }
0x11c: {  	v3 =	vand.u32 $0x7, v3;
	v4 =	vand.u32 $0xFFFFFFF0, v40  }
0x11d: {  	v3 =	vor.u32 v3, v4  }
0x11e: {  	v4 =	vperm.xlane v3, v0;
	_ =	sdelay $0x1  }
0x11f: {  	v3 =	vperm.xlane v3, v2;
	v4 =	vadd.s32 v1, v4;
	_ =	sdelay $0x1  }
0x120: {  	v3 =	vadd.s32 v1, v3;
	_ =	sdelay $0x2  }
0x121: {  	[tilespmem:s6], [sflag:$0x1] =	stream.indirect_vreg.gather [hbm4b:s2+s3], $0x80, v4, vm0, $0xb8;
	[tilespmem:$0xB300] =	vst v63  }
0x122: {  	_ = 	snop  }
0x123: {  	[tilespmem:s7], [sflag:$0x1] =	stream.indirect_vreg.gather [hbm4b:s2+s3], $0x80, v3, vm0, $0xb8;
	[tilespmem:$0xB300] =	vst v63  }
0x124: {  	v3 =	vld [tilespmem:$0x170];
	_ =	sdelay $0x4  }
0x125: {  	v41 =	vshll.u32 v3, $0x1  }
0x126: {  	v3 =	vand.u32 $0x7, v3;
	v4 =	vand.u32 $0xFFFFFFF0, v41  }
0x127: {  	v3 =	vor.u32 v3, v4  }
0x128: {  	v4 =	vperm.xlane v3, v0;
	_ =	sdelay $0x1  }
0x129: {  	v3 =	vperm.xlane v3, v2;
	v4 =	vadd.s32 v1, v4;
	_ =	sdelay $0x1  }
0x12a: {  	v3 =	vadd.s32 v1, v3;
	_ =	sdelay $0x2  }
0x12b: {  	[tilespmem:s8], [sflag:$0x1] =	stream.indirect_vreg.gather [hbm4b:s2+s3], $0x80, v4, vm0, $0xb8;
	[tilespmem:$0xB300] =	vst v63  }
0x12c: {  	_ = 	snop  }
0x12d: {  	[tilespmem:s9], [sflag:$0x1] =	stream.indirect_vreg.gather [hbm4b:s2+s3], $0x80, v3, vm0, $0xb8;
	[tilespmem:$0xB300] =	vst v63  }
0x12e: {  	v3 =	vld [tilespmem:$0x180];
	_ =	sdelay $0x4  }
0x12f: {  	v42 =	vshll.u32 v3, $0x1  }
0x130: {  	v3 =	vand.u32 $0x7, v3;
	v4 =	vand.u32 $0xFFFFFFF0, v42  }
0x131: {  	v3 =	vor.u32 v3, v4  }
0x132: {  	v4 =	vperm.xlane v3, v0;
	_ =	sdelay $0x1  }
0x133: {  	v3 =	vperm.xlane v3, v2;
	v4 =	vadd.s32 v1, v4;
	_ =	sdelay $0x1  }
0x134: {  	v3 =	vadd.s32 v1, v3;
	_ =	sdelay $0x2  }
0x135: {  	[tilespmem:s10], [sflag:$0x1] =	stream.indirect_vreg.gather [hbm4b:s2+s3], $0x80, v4, vm0, $0xb8;
	[tilespmem:$0xB300] =	vst v63  }
0x136: {  	_ = 	snop  }
0x137: {  	[tilespmem:s11], [sflag:$0x1] =	stream.indirect_vreg.gather [hbm4b:s2+s3], $0x80, v3, vm0, $0xb8;
	[tilespmem:$0xB300] =	vst v63  }
0x138: {  	v3 =	vld [tilespmem:$0x190];
	_ =	sdelay $0x4  }
0x139: {  	v43 =	vshll.u32 v3, $0x1  }
0x13a: {  	v3 =	vand.u32 $0x7, v3;
	v4 =	vand.u32 $0xFFFFFFF0, v43  }
0x13b: {  	v3 =	vor.u32 v3, v4  }
0x13c: {  	v4 =	vperm.xlane v3, v0;
	_ =	sdelay $0x1  }
0x13d: {  	v3 =	vperm.xlane v3, v2;
	v4 =	vadd.s32 v1, v4;
	_ =	sdelay $0x1  }
0x13e: {  	v3 =	vadd.s32 v1, v3;
	_ =	sdelay $0x2  }
0x13f: {  	[tilespmem:s12], [sflag:$0x1] =	stream.indirect_vreg.gather [hbm4b:s2+s3], $0x80, v4, vm0, $0xb8;
	[tilespmem:$0xB300] =	vst v63  }
0x140: {  	_ = 	snop  }
0x141: {  	[tilespmem:s13], [sflag:$0x1] =	stream.indirect_vreg.gather [hbm4b:s2+s3], $0x80, v3, vm0, $0xb8;
	[tilespmem:$0xB300] =	vst v63  }
0x142: {  	v3 =	vld [tilespmem:$0x1A0];
	_ =	sdelay $0x4  }
0x143: {  	v44 =	vshll.u32 v3, $0x1  }
0x144: {  	v3 =	vand.u32 $0x7, v3;
	v4 =	vand.u32 $0xFFFFFFF0, v44  }
0x145: {  	v3 =	vor.u32 v3, v4  }
0x146: {  	v4 =	vperm.xlane v3, v0;
	_ =	sdelay $0x1  }
0x147: {  	v3 =	vperm.xlane v3, v2;
	v4 =	vadd.s32 v1, v4;
	_ =	sdelay $0x1  }
0x148: {  	v3 =	vadd.s32 v1, v3;
	_ =	sdelay $0x2  }
0x149: {  	[tilespmem:s14], [sflag:$0x1] =	stream.indirect_vreg.gather [hbm4b:s2+s3], $0x80, v4, vm0, $0xb8;
	[tilespmem:$0xB300] =	vst v63  }
0x14a: {  	_ = 	snop  }
0x14b: {  	[tilespmem:s15], [sflag:$0x1] =	stream.indirect_vreg.gather [hbm4b:s2+s3], $0x80, v3, vm0, $0xb8;
	[tilespmem:$0xB300] =	vst v63  }
0x14c: {  	v3 =	vld.msk [tilespmem:$0x1B0], $0xff;
	_ =	sdelay $0x4  }
0x14d: {  	v45 =	vshll.u32 v3, $0x1  }
0x14e: {  	v3 =	vand.u32 $0x7, v3;
	v4 =	vand.u32 $0xFFFFFFF0, v45  }
0x14f: {  	v3 =	vor.u32 v3, v4  }
0x150: {  	v3 =	vperm.xlane v3, v0;
	_ =	sdelay $0x1  }
0x151: {  	v3 =	vadd.s32 v1, v3;
	_ =	sdelay $0x4  }
0x152: {  	[tilespmem:s16], [sflag:$0x1] =	stream.indirect_vreg.gather [hbm4b:s2+s3], $0x80, v3, vm0, $0xb8;
	[tilespmem:$0xB300] =	vst v63  }
0x153: {  	_ =	swait.ge [sflag:s17], $0x5800  }
0x154: {  	[sflag:s17] =	ssyncset.done $0x0  }
0x155: {  	s0 =	rddreg [dreg:$0x9];
	[sflag:s17] =	ssyncadd.s32 $0xFFFFA800  }
0x156: {  	[hbm4b:s0+s3] =	stream.linear.scatter [tilespmem:s6], [sflag:$0x3], $0x5800, $0x38;
	[tilespmem:$0xB300] =	vst v63  }
0x157: {  	_ =	swait.ge [sflag:s1], $0x5800  }
0x158: {  	[sflag:s1] =	ssyncset.done $0x0  }
0x159: {  	[sflag:s1] =	ssyncadd.s32 $0xFFFFA800  }
0x15a: {  	v3 =	vld [tilespmem:$0x1B8];
	_ =	sdelay $0x4  }
0x15b: {  	v46 =	vshll.u32 v3, $0x1  }
0x15c: {  	v3 =	vand.u32 $0x7, v3;
	v4 =	vand.u32 $0xFFFFFFF0, v46  }
0x15d: {  	v3 =	vor.u32 v3, v4  }
0x15e: {  	v4 =	vperm.xlane v3, v0;
	_ =	sdelay $0x1  }
0x15f: {  	v3 =	vperm.xlane v3, v2;
	v4 =	vadd.s32 v1, v4;
	_ =	sdelay $0x1  }
0x160: {  	v3 =	vadd.s32 v1, v3;
	_ =	sdelay $0x2  }
0x161: {  	[tilespmem:s18], [sflag:$0x2] =	stream.indirect_vreg.gather [hbm4b:s2+s3], $0x80, v4, vm0, $0xb8;
	[tilespmem:$0xB300] =	vst v63  }
0x162: {  	_ = 	snop  }
0x163: {  	[tilespmem:s19], [sflag:$0x2] =	stream.indirect_vreg.gather [hbm4b:s2+s3], $0x80, v3, vm0, $0xb8;
	[tilespmem:$0xB300] =	vst v63  }
0x164: {  	v3 =	vld [tilespmem:$0x1C8];
	_ =	sdelay $0x4  }
0x165: {  	v47 =	vshll.u32 v3, $0x1  }
0x166: {  	v3 =	vand.u32 $0x7, v3;
	v4 =	vand.u32 $0xFFFFFFF0, v47  }
0x167: {  	v3 =	vor.u32 v3, v4  }
0x168: {  	v4 =	vperm.xlane v3, v0;
	_ =	sdelay $0x1  }
0x169: {  	v3 =	vperm.xlane v3, v2;
	v4 =	vadd.s32 v1, v4;
	_ =	sdelay $0x1  }
0x16a: {  	v3 =	vadd.s32 v1, v3;
	_ =	sdelay $0x2  }
0x16b: {  	[tilespmem:s20], [sflag:$0x2] =	stream.indirect_vreg.gather [hbm4b:s2+s3], $0x80, v4, vm0, $0xb8;
	[tilespmem:$0xB300] =	vst v63  }
0x16c: {  	_ = 	snop  }
0x16d: {  	[tilespmem:s21], [sflag:$0x2] =	stream.indirect_vreg.gather [hbm4b:s2+s3], $0x80, v3, vm0, $0xb8;
	[tilespmem:$0xB300] =	vst v63  }
0x16e: {  	v3 =	vld [tilespmem:$0x1D8];
	_ =	sdelay $0x4  }
0x16f: {  	v48 =	vshll.u32 v3, $0x1  }
0x170: {  	v3 =	vand.u32 $0x7, v3;
	v4 =	vand.u32 $0xFFFFFFF0, v48  }
0x171: {  	v3 =	vor.u32 v3, v4  }
0x172: {  	v4 =	vperm.xlane v3, v0;
	_ =	sdelay $0x1  }
0x173: {  	v3 =	vperm.xlane v3, v2;
	v4 =	vadd.s32 v1, v4;
	_ =	sdelay $0x1  }
0x174: {  	v3 =	vadd.s32 v1, v3;
	_ =	sdelay $0x2  }
0x175: {  	[tilespmem:s22], [sflag:$0x2] =	stream.indirect_vreg.gather [hbm4b:s2+s3], $0x80, v4, vm0, $0xb8;
	[tilespmem:$0xB300] =	vst v63  }
0x176: {  	_ = 	snop  }
0x177: {  	[tilespmem:s23], [sflag:$0x2] =	stream.indirect_vreg.gather [hbm4b:s2+s3], $0x80, v3, vm0, $0xb8;
	[tilespmem:$0xB300] =	vst v63  }
0x178: {  	v3 =	vld [tilespmem:$0x1E8];
	_ =	sdelay $0x4  }
0x179: {  	v49 =	vshll.u32 v3, $0x1  }
0x17a: {  	v3 =	vand.u32 $0x7, v3;
	v4 =	vand.u32 $0xFFFFFFF0, v49  }
0x17b: {  	v3 =	vor.u32 v3, v4  }
0x17c: {  	v4 =	vperm.xlane v3, v0;
	_ =	sdelay $0x1  }
0x17d: {  	v3 =	vperm.xlane v3, v2;
	v4 =	vadd.s32 v1, v4;
	_ =	sdelay $0x1  }
0x17e: {  	v3 =	vadd.s32 v1, v3;
	_ =	sdelay $0x2  }
0x17f: {  	[tilespmem:s24], [sflag:$0x2] =	stream.indirect_vreg.gather [hbm4b:s2+s3], $0x80, v4, vm0, $0xb8;
	[tilespmem:$0xB300] =	vst v63  }
0x180: {  	_ = 	snop  }
0x181: {  	[tilespmem:s25], [sflag:$0x2] =	stream.indirect_vreg.gather [hbm4b:s2+s3], $0x80, v3, vm0, $0xb8;
	[tilespmem:$0xB300] =	vst v63  }
0x182: {  	v3 =	vld [tilespmem:$0x1F8];
	_ =	sdelay $0x4  }
0x183: {  	v50 =	vshll.u32 v3, $0x1  }
0x184: {  	v3 =	vand.u32 $0x7, v3;
	v4 =	vand.u32 $0xFFFFFFF0, v50  }
0x185: {  	v3 =	vor.u32 v3, v4  }
0x186: {  	v4 =	vperm.xlane v3, v0;
	_ =	sdelay $0x1  }
0x187: {  	v3 =	vperm.xlane v3, v2;
	v4 =	vadd.s32 v1, v4;
	_ =	sdelay $0x1  }
0x188: {  	v3 =	vadd.s32 v1, v3;
	_ =	sdelay $0x2  }
0x189: {  	[tilespmem:s26], [sflag:$0x2] =	stream.indirect_vreg.gather [hbm4b:s2+s3], $0x80, v4, vm0, $0xb8;
	[tilespmem:$0xB300] =	vst v63  }
0x18a: {  	_ = 	snop  }
0x18b: {  	[tilespmem:s28], [sflag:$0x2] =	stream.indirect_vreg.gather [hbm4b:s2+s3], $0x80, v3, vm0, $0xb8;
	[tilespmem:$0xB300] =	vst v63  }
0x18c: {  	v3 =	vld.msk [tilespmem:$0x208], $0xff;
	_ =	sdelay $0x4  }
0x18d: {  	v51 =	vshll.u32 v3, $0x1  }
0x18e: {  	v3 =	vand.u32 $0x7, v3;
	v4 =	vand.u32 $0xFFFFFFF0, v51  }
0x18f: {  	v3 =	vor.u32 v3, v4  }
0x190: {  	v3 =	vperm.xlane v3, v0;
	_ =	sdelay $0x1  }
0x191: {  	v3 =	vadd.s32 v1, v3;
	_ =	sdelay $0x4  }
0x192: {  	[tilespmem:s29], [sflag:$0x2] =	stream.indirect_vreg.gather [hbm4b:s2+s3], $0x80, v3, vm0, $0xb8;
	[tilespmem:$0xB300] =	vst v63  }
0x193: {  	_ =	swait.ge [sflag:s30], $0x5800  }
0x194: {  	[sflag:s30] =	ssyncset.done $0x0  }
0x195: {  	s0 =	rddreg [dreg:$0xa];
	[sflag:s30] =	ssyncadd.s32 $0xFFFFA800  }
0x196: {  	[hbm4b:s0+s3] =	stream.linear.scatter [tilespmem:s18], [sflag:$0x4], $0x5800, $0x38;
	[tilespmem:$0xB300] =	vst v63  }
0x197: {  	_ =	swait.ge [sflag:s31], $0x5800  }
0x198: {  	[sflag:s31] =	ssyncset.done $0x0  }
0x199: {  	[sflag:s31] =	ssyncadd.s32 $0xFFFFA800  }
0x19a: {  	v3 =	vld [tilespmem:$0x210];
	_ =	sdelay $0x4  }
0x19b: {  	v52 =	vshll.u32 v3, $0x1  }
0x19c: {  	v3 =	vand.u32 $0x7, v3;
	v4 =	vand.u32 $0xFFFFFFF0, v52  }
0x19d: {  	v3 =	vor.u32 v3, v4  }
0x19e: {  	v4 =	vperm.xlane v3, v0;
	_ =	sdelay $0x1  }
0x19f: {  	v3 =	vperm.xlane v3, v2;
	v4 =	vadd.s32 v1, v4;
	_ =	sdelay $0x1  }
0x1a0: {  	v3 =	vadd.s32 v1, v3;
	_ =	sdelay $0x2  }
0x1a1: {  	[tilespmem:s6], [sflag:$0x1] =	stream.indirect_vreg.gather [hbm4b:s2+s3], $0x80, v4, vm0, $0xb8;
	[tilespmem:$0xB300] =	vst v63  }
0x1a2: {  	_ = 	snop  }
0x1a3: {  	[tilespmem:s7], [sflag:$0x1] =	stream.indirect_vreg.gather [hbm4b:s2+s3], $0x80, v3, vm0, $0xb8;
	[tilespmem:$0xB300] =	vst v63  }
0x1a4: {  	v3 =	vld [tilespmem:$0x220];
	_ =	sdelay $0x4  }
0x1a5: {  	v53 =	vshll.u32 v3, $0x1  }
0x1a6: {  	v3 =	vand.u32 $0x7, v3;
	v4 =	vand.u32 $0xFFFFFFF0, v53  }
0x1a7: {  	v3 =	vor.u32 v3, v4  }
0x1a8: {  	v4 =	vperm.xlane v3, v0;
	_ =	sdelay $0x1  }
0x1a9: {  	v3 =	vperm.xlane v3, v2;
	v4 =	vadd.s32 v1, v4;
	_ =	sdelay $0x1  }
0x1aa: {  	v3 =	vadd.s32 v1, v3;
	_ =	sdelay $0x2  }
0x1ab: {  	[tilespmem:s8], [sflag:$0x1] =	stream.indirect_vreg.gather [hbm4b:s2+s3], $0x80, v4, vm0, $0xb8;
	[tilespmem:$0xB300] =	vst v63  }
0x1ac: {  	_ = 	snop  }
0x1ad: {  	[tilespmem:s9], [sflag:$0x1] =	stream.indirect_vreg.gather [hbm4b:s2+s3], $0x80, v3, vm0, $0xb8;
	[tilespmem:$0xB300] =	vst v63  }
0x1ae: {  	v3 =	vld [tilespmem:$0x230];
	_ =	sdelay $0x4  }
0x1af: {  	v54 =	vshll.u32 v3, $0x1  }
0x1b0: {  	v3 =	vand.u32 $0x7, v3;
	v4 =	vand.u32 $0xFFFFFFF0, v54  }
0x1b1: {  	v3 =	vor.u32 v3, v4  }
0x1b2: {  	v4 =	vperm.xlane v3, v0;
	_ =	sdelay $0x1  }
0x1b3: {  	v3 =	vperm.xlane v3, v2;
	v4 =	vadd.s32 v1, v4;
	_ =	sdelay $0x1  }
0x1b4: {  	v3 =	vadd.s32 v1, v3;
	_ =	sdelay $0x2  }
0x1b5: {  	[tilespmem:s10], [sflag:$0x1] =	stream.indirect_vreg.gather [hbm4b:s2+s3], $0x80, v4, vm0, $0xb8;
	[tilespmem:$0xB300] =	vst v63  }
0x1b6: {  	_ = 	snop  }
0x1b7: {  	[tilespmem:s11], [sflag:$0x1] =	stream.indirect_vreg.gather [hbm4b:s2+s3], $0x80, v3, vm0, $0xb8;
	[tilespmem:$0xB300] =	vst v63  }
0x1b8: {  	v3 =	vld [tilespmem:$0x240];
	_ =	sdelay $0x4  }
0x1b9: {  	v55 =	vshll.u32 v3, $0x1  }
0x1ba: {  	v3 =	vand.u32 $0x7, v3;
	v4 =	vand.u32 $0xFFFFFFF0, v55  }
0x1bb: {  	v3 =	vor.u32 v3, v4  }
0x1bc: {  	v4 =	vperm.xlane v3, v0;
	_ =	sdelay $0x1  }
0x1bd: {  	v3 =	vperm.xlane v3, v2;
	v4 =	vadd.s32 v1, v4;
	_ =	sdelay $0x1  }
0x1be: {  	v3 =	vadd.s32 v1, v3;
	_ =	sdelay $0x2  }
0x1bf: {  	[tilespmem:s12], [sflag:$0x1] =	stream.indirect_vreg.gather [hbm4b:s2+s3], $0x80, v4, vm0, $0xb8;
	[tilespmem:$0xB300] =	vst v63  }
0x1c0: {  	_ = 	snop  }
0x1c1: {  	[tilespmem:s13], [sflag:$0x1] =	stream.indirect_vreg.gather [hbm4b:s2+s3], $0x80, v3, vm0, $0xb8;
	[tilespmem:$0xB300] =	vst v63  }
0x1c2: {  	v3 =	vld [tilespmem:$0x250];
	_ =	sdelay $0x4  }
0x1c3: {  	v56 =	vshll.u32 v3, $0x1  }
0x1c4: {  	v3 =	vand.u32 $0x7, v3;
	v4 =	vand.u32 $0xFFFFFFF0, v56  }
0x1c5: {  	v3 =	vor.u32 v3, v4  }
0x1c6: {  	v4 =	vperm.xlane v3, v0;
	_ =	sdelay $0x1  }
0x1c7: {  	v3 =	vperm.xlane v3, v2;
	v4 =	vadd.s32 v1, v4;
	_ =	sdelay $0x1  }
0x1c8: {  	v3 =	vadd.s32 v1, v3;
	_ =	sdelay $0x2  }
0x1c9: {  	[tilespmem:s14], [sflag:$0x1] =	stream.indirect_vreg.gather [hbm4b:s2+s3], $0x80, v4, vm0, $0xb8;
	[tilespmem:$0xB300] =	vst v63  }
0x1ca: {  	_ = 	snop  }
0x1cb: {  	[tilespmem:s15], [sflag:$0x1] =	stream.indirect_vreg.gather [hbm4b:s2+s3], $0x80, v3, vm0, $0xb8;
	[tilespmem:$0xB300] =	vst v63  }
0x1cc: {  	v3 =	vld.msk [tilespmem:$0x260], $0xff;
	_ =	sdelay $0x4  }
0x1cd: {  	v57 =	vshll.u32 v3, $0x1  }
0x1ce: {  	v3 =	vand.u32 $0x7, v3;
	v4 =	vand.u32 $0xFFFFFFF0, v57  }
0x1cf: {  	v3 =	vor.u32 v3, v4  }
0x1d0: {  	v3 =	vperm.xlane v3, v0;
	_ =	sdelay $0x1  }
0x1d1: {  	v3 =	vadd.s32 v1, v3;
	_ =	sdelay $0x4  }
0x1d2: {  	[tilespmem:s16], [sflag:$0x1] =	stream.indirect_vreg.gather [hbm4b:s2+s3], $0x80, v3, vm0, $0xb8;
	[tilespmem:$0xB300] =	vst v63  }
0x1d3: {  	_ =	swait.ge [sflag:s17], $0x5800  }
0x1d4: {  	[sflag:s17] =	ssyncset.done $0x0  }
0x1d5: {  	s0 =	rddreg [dreg:$0xb];
	[sflag:s17] =	ssyncadd.s32 $0xFFFFA800  }
0x1d6: {  	[hbm4b:s0+s3] =	stream.linear.scatter [tilespmem:s6], [sflag:$0x3], $0x5800, $0x38;
	[tilespmem:$0xB300] =	vst v63  }
0x1d7: {  	_ =	swait.ge [sflag:s1], $0x5800  }
0x1d8: {  	[sflag:s1] =	ssyncset.done $0x0  }
0x1d9: {  	[sflag:s1] =	ssyncadd.s32 $0xFFFFA800  }
0x1da: {  	v3 =	vld [tilespmem:$0x268];
	_ =	sdelay $0x4  }
0x1db: {  	v58 =	vshll.u32 v3, $0x1  }
0x1dc: {  	v3 =	vand.u32 $0x7, v3;
	v4 =	vand.u32 $0xFFFFFFF0, v58  }
0x1dd: {  	v3 =	vor.u32 v3, v4  }
0x1de: {  	v4 =	vperm.xlane v3, v0;
	_ =	sdelay $0x1  }
0x1df: {  	v3 =	vperm.xlane v3, v2;
	v4 =	vadd.s32 v1, v4;
	_ =	sdelay $0x1  }
0x1e0: {  	v3 =	vadd.s32 v1, v3;
	_ =	sdelay $0x2  }
0x1e1: {  	[tilespmem:s18], [sflag:$0x2] =	stream.indirect_vreg.gather [hbm4b:s2+s3], $0x80, v4, vm0, $0xb8;
	[tilespmem:$0xB300] =	vst v63  }
0x1e2: {  	_ = 	snop  }
0x1e3: {  	[tilespmem:s19], [sflag:$0x2] =	stream.indirect_vreg.gather [hbm4b:s2+s3], $0x80, v3, vm0, $0xb8;
	[tilespmem:$0xB300] =	vst v63  }
0x1e4: {  	v3 =	vld [tilespmem:$0x278];
	_ =	sdelay $0x4  }
0x1e5: {  	v59 =	vshll.u32 v3, $0x1  }
0x1e6: {  	v3 =	vand.u32 $0x7, v3;
	v4 =	vand.u32 $0xFFFFFFF0, v59  }
0x1e7: {  	v3 =	vor.u32 v3, v4  }
0x1e8: {  	v4 =	vperm.xlane v3, v0;
	_ =	sdelay $0x1  }
0x1e9: {  	v3 =	vperm.xlane v3, v2;
	v4 =	vadd.s32 v1, v4;
	_ =	sdelay $0x1  }
0x1ea: {  	v3 =	vadd.s32 v1, v3;
	_ =	sdelay $0x2  }
0x1eb: {  	[tilespmem:s20], [sflag:$0x2] =	stream.indirect_vreg.gather [hbm4b:s2+s3], $0x80, v4, vm0, $0xb8;
	[tilespmem:$0xB300] =	vst v63  }
0x1ec: {  	_ = 	snop  }
0x1ed: {  	[tilespmem:s21], [sflag:$0x2] =	stream.indirect_vreg.gather [hbm4b:s2+s3], $0x80, v3, vm0, $0xb8;
	[tilespmem:$0xB300] =	vst v63  }
0x1ee: {  	v3 =	vld [tilespmem:$0x288];
	_ =	sdelay $0x4  }
0x1ef: {  	v60 =	vshll.u32 v3, $0x1  }
0x1f0: {  	v3 =	vand.u32 $0x7, v3;
	v4 =	vand.u32 $0xFFFFFFF0, v60  }
0x1f1: {  	v3 =	vor.u32 v3, v4  }
0x1f2: {  	v4 =	vperm.xlane v3, v0;
	_ =	sdelay $0x1  }
0x1f3: {  	v3 =	vperm.xlane v3, v2;
	v4 =	vadd.s32 v1, v4;
	_ =	sdelay $0x1  }
0x1f4: {  	v3 =	vadd.s32 v1, v3;
	_ =	sdelay $0x2  }
0x1f5: {  	[tilespmem:s22], [sflag:$0x2] =	stream.indirect_vreg.gather [hbm4b:s2+s3], $0x80, v4, vm0, $0xb8;
	[tilespmem:$0xB300] =	vst v63  }
0x1f6: {  	_ = 	snop  }
0x1f7: {  	[tilespmem:s23], [sflag:$0x2] =	stream.indirect_vreg.gather [hbm4b:s2+s3], $0x80, v3, vm0, $0xb8;
	[tilespmem:$0xB300] =	vst v63  }
0x1f8: {  	v3 =	vld [tilespmem:$0x298];
	_ =	sdelay $0x4  }
0x1f9: {  	v61 =	vshll.u32 v3, $0x1  }
0x1fa: {  	v3 =	vand.u32 $0x7, v3;
	v4 =	vand.u32 $0xFFFFFFF0, v61  }
0x1fb: {  	v3 =	vor.u32 v3, v4  }
0x1fc: {  	v4 =	vperm.xlane v3, v0;
	_ =	sdelay $0x1  }
0x1fd: {  	v3 =	vperm.xlane v3, v2;
	v4 =	vadd.s32 v1, v4;
	_ =	sdelay $0x1  }
0x1fe: {  	v3 =	vadd.s32 v1, v3;
	_ =	sdelay $0x2  }
0x1ff: {  	[tilespmem:s24], [sflag:$0x2] =	stream.indirect_vreg.gather [hbm4b:s2+s3], $0x80, v4, vm0, $0xb8;
	[tilespmem:$0xB300] =	vst v63  }
0x200: {  	_ = 	snop  }
0x201: {  	[tilespmem:s25], [sflag:$0x2] =	stream.indirect_vreg.gather [hbm4b:s2+s3], $0x80, v3, vm0, $0xb8;
	[tilespmem:$0xB300] =	vst v63  }
0x202: {  	v3 =	vld [tilespmem:$0x2A8];
	_ =	sdelay $0x4  }
0x203: {  	v62 =	vshll.u32 v3, $0x1  }
0x204: {  	v3 =	vand.u32 $0x7, v3;
	v4 =	vand.u32 $0xFFFFFFF0, v62  }
0x205: {  	v3 =	vor.u32 v3, v4  }
0x206: {  	v4 =	vperm.xlane v3, v0;
	_ =	sdelay $0x1  }
0x207: {  	v3 =	vperm.xlane v3, v2;
	v4 =	vadd.s32 v1, v4;
	_ =	sdelay $0x1  }
0x208: {  	v3 =	vadd.s32 v1, v3;
	_ =	sdelay $0x2  }
0x209: {  	[tilespmem:s26], [sflag:$0x2] =	stream.indirect_vreg.gather [hbm4b:s2+s3], $0x80, v4, vm0, $0xb8;
	[tilespmem:$0xB300] =	vst v63  }
0x20a: {  	_ = 	snop  }
0x20b: {  	[tilespmem:s28], [sflag:$0x2] =	stream.indirect_vreg.gather [hbm4b:s2+s3], $0x80, v3, vm0, $0xb8;
	[tilespmem:$0xB300] =	vst v63  }
0x20c: {  	v3 =	vld.msk [tilespmem:$0x2B8], $0xff;
	_ =	sdelay $0x4  }
0x20d: {  	v63 =	vshll.u32 v3, $0x1  }
0x20e: {  	v3 =	vand.u32 $0x7, v3;
	v4 =	vand.u32 $0xFFFFFFF0, v63  }
0x20f: {  	v3 =	vor.u32 v3, v4  }
0x210: {  	v3 =	vperm.xlane v3, v0;
	_ =	sdelay $0x1  }
0x211: {  	v3 =	vadd.s32 v1, v3;
	_ =	sdelay $0x4  }
0x212: {  	[tilespmem:s29], [sflag:$0x2] =	stream.indirect_vreg.gather [hbm4b:s2+s3], $0x80, v3, vm0, $0xb8;
	[tilespmem:$0xB300] =	vst v63  }
0x213: {  	_ =	swait.ge [sflag:s30], $0x5800  }
0x214: {  	[sflag:s30] =	ssyncset.done $0x0  }
0x215: {  	s0 =	rddreg [dreg:$0xc];
	[sflag:s30] =	ssyncadd.s32 $0xFFFFA800  }
0x216: {  	[hbm4b:s0+s3] =	stream.linear.scatter [tilespmem:s18], [sflag:$0x4], $0x5800, $0x38;
	[tilespmem:$0xB300] =	vst v63  }
0x217: {  	p0 =	sne.s32 s4, $0x1;
	_ =	swait.ge [sflag:s31], $0x5800  }
.Ltmp0:
0x218: {  	[sflag:s31] =	ssyncset.done $0x0;
	(pc) =	sbr.rel @p0 .LBB2_1-.Ltmp0, $4  }
0x219: {  	[sflag:s31] =	ssyncadd.s32 $0xFFFFA800  }
0x21a: {  	_ =	swait.ge [sflag:s1], $0x5800  }
0x21b: {  	[sflag:s1] =	ssyncset.done $0x0  }
0x21c: {  	s4 =	sadd.s32 $0xFFFFFFFF, s4;
	[sflag:s1] =	ssyncadd.s32 $0xFFFFA800  }
0x21d: {  	_ =	sfence.sel $0x180000  }
0x21e: {  	[bflag:$0x0] =	sbarrier.arrive $0xFFFF  }
0x21f: {  	_ =	strace $0x9000004A  }
0x220: {  	s0 =	stileid.u32;
	[bflag:$0x2] =	sbarrier.arrive $0xFFFF  }
0x221: {  	p0 =	sne.s32 s0, $0x0;
	s0 =	rddreg [dreg:$0x3]  }
0x222: {  	s0 =	sadd.s32 @!p0 $0x100000, s0  }
0x223: {  	[sflag:s0] =	ssyncadd.tile.s32 @!p0 $0x1;
	_ =	shalt  }
.Lfunc_end2:
_tile_overlayer_lowered:
.L_overlay_start_2:
0x224: {  	(tag) =	ssettag $0x2  }
0x225: {  	s0 =	rddreg [dreg:$0x0];
	s2 =	stileid.u32  }
0x226: {  	s1 =	rddreg [dreg:$0x1];
	p0 =	sne.s32 s2, $0x0  }
0x227: {  	s3 =	rddreg [dreg:$0x2];
	[bflag:$0x3] =	sbarrier.arrive $0xFFFF;
	s2 =	simm.s32 @!p0 $0x1C05  }
0x228: {  	[timem:s3], [sflag:s2] =	dma.local @!p0 [hbm:s0], s1  }
0x229: {  	s0 =	simm.s32 @!p0 $0x5  }
0x22a: {  	_ =	swait.ge @!p0 [sflag:s0], s1  }
0x22b: {  	s1 =	ssub.s32 @!p0 $0x0, s1;
	[sflag:s0] =	ssyncset.done @!p0 $0x0  }
0x22c: {  	[sflag:s0] =	ssyncadd.s32 @!p0 s1  }
0x22d: {  	[bflag:$0x3] =	sbarrier.arrive $0xFFFF  }
0x22e: {  	_ =	shalt  }

// kernel: kernel.7.cloned.1.call-start
scs
__scs_entry_jumppad:
0x0: {  	(pc) =	sbr.rel $0x88, $3  }
0x1: {  	(tag) =	ssettag $0x0;
	lr =	simm.s32 $0x1  }
0x2: {  	[smem:$0x3F9C] =	sst lr;
	_ =	strace $0xD0000000  }
0x3: {  	_ = 	snop  }
0x4: {  	_ = 	snop  }
0x5: {  	_ = 	snop  }
0x6: {  	_ = 	snop  }
0x7: {  	_ = 	snop  }
__scs_overlays_trampoline_lowered:
0x8: {  	[smem:$0x3FAB] =	sst s0  }
0x9: {  	[smem:$0x3FAC] =	sst s1  }
0xa: {  	[smem:$0x3FAD] =	sst s2  }
0xb: {  	[smem:$0x3FAE] =	sst s3  }
0xc: {  	[smem:$0x3FAF] =	sst s4  }
0xd: {  	[smem:$0x3FB0] =	sst s5  }
0xe: {  	[smem:$0x3FB1] =	sst s6  }
0xf: {  	[smem:$0x3FB2] =	sst s7  }
0x10: {  	[smem:$0x3FB3] =	sst s8  }
0x11: {  	[smem:$0x3FB4] =	sst s9;
	s0 =	simm.s32 @!p0 $0x0  }
0x12: {  	s1 =	sld [smem:$0x3F9A];
	s0 =	simm.s32 @p0 $0x1  }
0x13: {  	[smem:$0x3FB5] =	sst s0;
	s0 =	simm.s32 @!p1 $0x0  }
0x14: {  	s2 =	sld [smem:$0x3F99];
	s0 =	simm.s32 @p1 $0x1  }
0x15: {  	[smem:$0x3FB6] =	sst s0;
	s0 =	simm.s32 @!p2 $0x0  }
0x16: {  	s3 =	sld [smem:$0x3FDB];
	s0 =	simm.s32 @p2 $0x1  }
0x17: {  	s4 =	simm.s32 $0x1BF5;
	[smem:$0x3FB8] =	sst s0  }
0x18: {  	s0 =	sld [smem:$0x3F9B];
	_ =	swait.ge [sflag:s4], $0x0  }
0x19: {  	s7 =	sld [smem:$0x3F9C]  }
0x1a: {  	s8 =	sadd.s32 $0xFFFFE003, lr  }
0x1b: {  	s9 =	sadd.s32 $0xFFFFFEF7, lr;
	s5 =	simm.s32 $0xFFFFFFFF;
	p2 =	slt.u32 s8, $0xFFFFF086  }
0x1c: {  	p1 =	slt.u32 s9, $0xF7A;
	s5 =	simm.s32 @!p2 $0x0  }
0x1d: {  	s5 =	simm.s32 @p1 $0x1;
	p0 =	seq.s32 s7, s2  }
0x1e: {  	s7 =	smul.u32 @!p0 $0xF7A, s2;
	p2 =	seq.s32 @!p0 s5, $0x0  }
0x1f: {  	s9 =	smul.u32 $0xF7A, s1;
	s8 =	simm.s32 @!p0 $0x1BF5;
	p2 =	por !p2, p0  }
0x20: {  	[sflag:s8] =	ssyncset.s32 @!p0 $0xFFFFF086;
	s6 =	sadd.s32 @!p0 s3, s7;
	s7 =	simm.s32 @!p0 $0x108  }
0x21: {  	s3 =	sadd.s32 s3, s9;
	s6 =	sadd.s32 @!p0 $0x88, s6;
	s7 =	simm.s32 @p2 $0x1082  }
0x22: {  	[simem:s7], [sflag:s8] =	dma.local @!p0 [hbm:s6], $0xF7A  }
0x23: {  	s9 =	sor.u32 $0xD0000000, s2;
	s6 =	simm.s32 $0x108;
	_ =	swait.ge @!p0 [sflag:s8], $0x0  }
0x24: {  	s3 =	sadd.s32 $0x88, s3;
	s6 =	simm.s32 @!p1 $0x1082;
	[sflag:s4] =	ssyncset.s32 $0xFFFFF086  }
0x25: {  	[simem:s6], [sflag:s4] =	dma.local [hbm:s3], $0xF7A  }
0x26: {  	[smem:$0x3F9C] =	sst s1;
	(tag) =	ssettag s2;
	_ =	strace s9  }
0x27: {  	s1 =	sld [smem:$0x3FAC]  }
0x28: {  	s2 =	sld [smem:$0x3FAD]  }
0x29: {  	s4 =	sld [smem:$0x3FAF]  }
0x2a: {  	p0 =	seq.s32 s5, $0x0;
	s5 =	sld [smem:$0x3FB0]  }
0x2b: {  	s6 =	sld [smem:$0x3FB1]  }
0x2c: {  	s7 =	sld [smem:$0x3FB2]  }
0x2d: {  	s3 =	simm.s32 $0x108;
	s8 =	sld [smem:$0x3FB3]  }
0x2e: {  	s3 =	simm.s32 @!p0 $0x1082;
	s9 =	sld [smem:$0x3FB4]  }
0x2f: {  	lr =	sadd.s32 s0, s3;
	s0 =	sld [smem:$0x3FAB]  }
0x30: {  	s3 =	sld [smem:$0x3FAE]  }
0x31: {  	[smem:$0x3FB7] =	sst s10  }
0x32: {  	s10 =	sld [smem:$0x3FB5];
	_ =	sdelay $0x3  }
0x33: {  	p0 =	seq.s32 s10, $0x1;
	s10 =	sld [smem:$0x3FB7];
	_ =	sdelay $0x3  }
0x34: {  	[smem:$0x3FB7] =	sst s10  }
0x35: {  	s10 =	sld [smem:$0x3FB6];
	_ =	sdelay $0x3  }
0x36: {  	p1 =	seq.s32 s10, $0x1;
	s10 =	sld [smem:$0x3FB7];
	_ =	sdelay $0x3  }
0x37: {  	[smem:$0x3FB7] =	sst s10  }
0x38: {  	s10 =	sld [smem:$0x3FB8]  }
0x39: {  	_ = 	snop;
	(pc) =	sbr.ind lr, $3  }
0x3a: {  	_ = 	snop  }
0x3b: {  	_ = 	snop  }
0x3c: {  	p2 =	seq.s32 s10, $0x1;
	s10 =	sld [smem:$0x3FB7]  }
0x3d: {  	_ =	shalt  }
0x3e: {  	_ =	shalt  }
0x3f: {  	_ =	shalt  }
0x40: {  	_ =	shalt  }
0x41: {  	_ =	shalt  }
0x42: {  	_ =	shalt  }
0x43: {  	_ =	shalt  }
0x44: {  	_ =	shalt  }
0x45: {  	_ =	shalt  }
0x46: {  	_ =	shalt  }
0x47: {  	_ =	shalt  }
0x48: {  	_ =	shalt  }
0x49: {  	_ =	shalt  }
0x4a: {  	_ =	shalt  }
0x4b: {  	_ =	shalt  }
0x4c: {  	_ =	shalt  }
0x4d: {  	_ =	shalt  }
0x4e: {  	_ =	shalt  }
0x4f: {  	_ =	shalt  }
0x50: {  	_ =	shalt  }
0x51: {  	_ =	shalt  }
0x52: {  	_ =	shalt  }
0x53: {  	_ =	shalt  }
0x54: {  	_ =	shalt  }
0x55: {  	_ =	shalt  }
0x56: {  	_ =	shalt  }
0x57: {  	_ =	shalt  }
0x58: {  	_ =	shalt  }
0x59: {  	_ =	shalt  }
0x5a: {  	_ =	shalt  }
0x5b: {  	_ =	shalt  }
0x5c: {  	_ =	shalt  }
0x5d: {  	_ =	shalt  }
0x5e: {  	_ =	shalt  }
0x5f: {  	_ =	shalt  }
0x60: {  	_ =	shalt  }
0x61: {  	_ =	shalt  }
0x62: {  	_ =	shalt  }
0x63: {  	_ =	shalt  }
0x64: {  	_ =	shalt  }
0x65: {  	_ =	shalt  }
0x66: {  	_ =	shalt  }
0x67: {  	_ =	shalt  }
0x68: {  	_ =	shalt  }
0x69: {  	_ =	shalt  }
0x6a: {  	_ =	shalt  }
0x6b: {  	_ =	shalt  }
0x6c: {  	_ =	shalt  }
0x6d: {  	_ =	shalt  }
0x6e: {  	_ =	shalt  }
0x6f: {  	_ =	shalt  }
0x70: {  	_ =	shalt  }
0x71: {  	_ =	shalt  }
0x72: {  	_ =	shalt  }
0x73: {  	_ =	shalt  }
0x74: {  	_ =	shalt  }
0x75: {  	_ =	shalt  }
0x76: {  	_ =	shalt  }
0x77: {  	_ =	shalt  }
0x78: {  	_ =	shalt  }
0x79: {  	_ =	shalt  }
0x7a: {  	_ =	shalt  }
0x7b: {  	_ =	shalt  }
0x7c: {  	_ =	shalt  }
0x7d: {  	_ =	shalt  }
0x7e: {  	_ =	shalt  }
0x7f: {  	_ =	shalt  }
0x80: {  	_ =	shalt  }
0x81: {  	_ =	shalt  }
0x82: {  	_ =	shalt  }
0x83: {  	_ =	shalt  }
0x84: {  	_ =	shalt  }
0x85: {  	_ =	shalt  }
0x86: {  	_ =	shalt  }
0x87: {  	_ =	shalt  }
.Lfunc_end0:
.L_simem_size_0:
called_computation_lowered:
.L_overlay_start_0:
0x88: {  	s2 =	sld [smem:$0x3FD9]  }
0x89: {  	s3 =	sld [smem:$0x3FFE];
	_ =	sdelay $0x1  }
0x8a: {  	s1 =	srdreg.scid  }
0x8b: {  	s0 =	sand.u32 $0x1, s1  }
0x8c: {  	s14 =	sshll.u32 s0, $0xA;
	s2 =	sadd.s32 s3, s2  }
0x8d: {  	s2 =	sadd.s32 s2, s14  }
0x8e: {  	[smem:$0x3FC3] =	sst s2  }
0x8f: {  	_ = 	snop  }
0x90: {  	s2 =	sld [smem:$0x3FD0];
	_ =	sdelay $0x2  }
0x91: {  	s4 =	simm.s32 $0xB;
	s5 =	simm.s32 $0x10;
	s15 =	sld [smem:$0x3FC8]  }
0x92: {  	[smem:s5], [sflag:s4] =	dma.local [hbm:s2], $0x1  }
0x93: {  	_ =	swait.eq [sflag:s4], $0x1  }
0x94: {  	[sflag:s4] =	ssyncset.done $0x0  }
0x95: {  	[sflag:s4] =	ssyncadd.s32 $0xFFFFFFFF  }
0x96: {  	s16 =	sld [smem:$0x10];
	(tm) =	ssettm $0x1  }
0x97: {  	s17 =	sld [smem:$0x3FFB];
	_ =	sdelay $0x3  }
0x98: {  	_ =	strace s17  }
0x99: {  	s4 =	sld [smem:$0x3FFC];
	_ =	sdelay $0x3  }
0x9a: {  	_ =	strace s4  }
0x9b: {  	s4 =	sld [smem:$0x3FFD];
	_ =	sdelay $0x3  }
0x9c: {  	_ =	strace s4  }
0x9d: {  	_ =	strace $0x8FFFFFFF  }
0x9e: {  	s18 =	sld [smem:$0x3FDB];
	_ =	sdelay $0x1  }
0x9f: {  	s19 =	simm.s32 $_scs_section_size  }
0xa0: {  	s6 =	simm.s32 $_size__tile_overlayer_lowered;
	s7 =	simm.s32 $_tile_overlayer_lowered  }
0xa1: {  	s22 =	simm.s32 $0x1BFF;
	s21 =	sshll.u32 s7, $0x1;
	s4 =	sadd.s32 s19, s18  }
0xa2: {  	s8 =	simm.s32 $0x0;
	s20 =	sshll.u32 s6, $0x1;
	s6 =	sadd.s32 s21, s4  }
0xa3: {  	[timem:s8], [sflag:s22] =	dma.local [hbm:s6], s20  }
0xa4: {  	_ =	swait.ge [sflag:s22], s20  }
0xa5: {  	s5 =	ssub.s32 $0x0, s20;
	[sflag:s22] =	ssyncset.done $0x0  }
0xa6: {  	[sflag:s22] =	ssyncadd.s32 s5;
	_ =	sdelay $0x1  }
0xa7: {  	s23 =	simm.s32 $0x1B8B  }
0xa8: {  	_ =	swait.ge [sflag:s23], $0x1  }
0xa9: {  	[sflag:s23] =	ssyncset.done $0x0  }
0xaa: {  	s25 =	simm.s32 $0x1B8E;
	s24 =	sld [smem:$0x3FFE];
	[sflag:s23] =	ssyncadd.s32 $0xFFFFFFFF  }
0xab: {  	s26 =	simm.s32 $execute0_lowered;
	[smem:$0x3FD2] =	sst s25  }
0xac: {  	s6 =	sshll.u32 s26, $0x1;
	_ =	strace $0x80000046;
	[dreg:$0x1] =	wrdreg $0xFFFFFFFF  }
0xad: {  	s28 =	simm.s32 $_size_execute0_lowered;
	s4 =	sadd.s32 s4, s6;
	[dreg:$0x0] =	wrdreg $0x0  }
0xae: {  	s6 =	sshll.u32 s28, $0x1;
	[dreg:$0x2] =	wrdreg s4  }
0xaf: {  	[dreg:$0x3] =	wrdreg s6  }
0xb0: {  	[dreg:$0x4] =	wrdreg $0xC0  }
0xb1: {  	_ =	task [dreg:s8], $0x5FFFF  }
0xb2: {  	[dreg:$0x1] =	wrdreg $0xFFFFFFFF  }
0xb3: {  	[dreg:$0x0] =	wrdreg $0x60  }
0xb4: {  	[dreg:$0x2] =	wrdreg s24  }
0xb5: {  	[dreg:$0x3] =	wrdreg s15  }
0xb6: {  	[dreg:$0x4] =	wrdreg s16  }
0xb7: {  	[dreg:$0x5] =	wrdreg $0x9  }
0xb8: {  	_ =	task.clear_ibuf [dreg:s8], $0x6FFFF;
	_ =	strace $0x90000046  }
0xb9: {  	s29 =	simm.s32 $0x9;
	_ =	strace $0x80000048  }
0xba: {  	_ =	swait.ge [sflag:s29], $0x1  }
0xbb: {  	[sflag:s29] =	ssyncadd.s32 $0xFFFFFFFF  }
0xbc: {  	_ =	strace $0x90000048  }
0xbd: {  	_ =	sfence  }
0xbe: {  	s30 =	sld [smem:$0x0];
	_ =	sdelay $0x2  }
0xbf: {  	s31 =	sshll.u32 s1, $0xD;
	s1 =	sshrl.u32 s1, $0x2  }
0xc0: {  	s3 =	sand.u32 $0x4000, s31;
	s1 =	sadd.s32 s1, s30  }
0xc1: {  	s0 =	sor.u32 s3, s0;
	s1 =	sshll.u32 s1, $0x11  }
0xc2: {  	s0 =	sor.u32 s1, s0  }
0xc3: {  	s0 =	sadd.s32 $0x8F2B, s0  }
0xc4: {  	[sflag:s0] =	ssyncadd.remote.s32 $0x1  }
0xc5: {  	_ =	sfence.sel $0xFFFF  }
0xc6: {  	[dreg:$0x0] =	wrdreg $0xFFFFFFFF;
	(pc) =	sbr.abs _section_cstart, $3  }
0xc7: {  	[dreg:$0x1] =	wrdreg $0xFFFFFFFF  }
0xc8: {  	_ =	task.clear_ibuf [dreg:s8], $0x2FFFF;
	_ =	strace $0x9FFFFFFF  }
0xc9: {  	(tm) =	ssettm $0x7FFFFFFF  }
tec
execute0_lowered:
.L_overlay_start_1:
0x0: {  	(tag) =	ssettag $0x1  }
0x1: {  	s4 =	rddreg [dreg:$0x0]  }
0x2: {  	s2 =	rddreg [dreg:$0x1];
	s1 =	srdreg.scid  }
0x3: {  	s0 =	stileid.u32;
	s5 =	rddreg [dreg:$0x2];
	s10 =	simm.s32 $0x1080  }
0x4: {  	s11 =	simm.s32 $0x1880;
	s12 =	simm.s32 $0x2080;
	s13 =	simm.s32 $0x2880  }
0x5: {  	s14 =	simm.s32 $0x3080;
	s15 =	simm.s32 $0x3880;
	s16 =	simm.s32 $0x4080  }
0x6: {  	s17 =	simm.s32 $0x4880;
	s18 =	simm.s32 $0x5080;
	s19 =	simm.s32 $0x5880  }
0x7: {  	s20 =	simm.s32 $0x1;
	s6 =	sand.u32 $0x1, s1;
	s3 =	sshll.u32 s0, $0x1  }
0x8: {  	s21 =	simm.s32 $0x2;
	s1 =	rddreg [dreg:$0x3];
	s7 =	sor.u32 s6, s3  }
0x9: {  	s3 =	simm.s32 $0x0;
	s6 =	ssub.s32 $0x2, s6;
	s8 =	smul.u32 $0xC, s7  }
0xa: {  	[smem:$0x7FF] =	sst s3;
	s9 =	sshrl.u32 s6, $0x1;
	s7 =	smul.u32 $0xC00, s7  }
0xb: {  	v2 =	vlaneseq.u32;
	_ =	strace $0x80000047;
	s6 =	ssub.s32 s6, s9;
	s9 =	simm.s32 $0x880  }
0xc: {  	vm0 =	vmmov $0xffff;
	v1 =	vshrl.u32 v2, $0x3;
	s4 =	sadd.s32 s8, s4;
	s5 =	sadd.s32 s5, s7;
	s6 =	smax.u32 s6, $0x1  }
0xd: {  	v0 =	vand.u32 $0x7, v2;
	v2 =	vor.u32 $0x8, v2;
	v1 =	vmul.u32 $0x8, v1;
	s7 =	simm.s32 $0x3;
	s8 =	simm.s32 $0x80;
	s4 =	sadd.s32 $0x1400, s4  }
.LBB2_1:
0xe: {  	[tilespmem:s3], [sflag:$0x3] =	stream.linear.gather [hbm4b:s4+s3], $0x60, $0x38;
	[tilespmem:$0x6080] =	vst v63  }
0xf: {  	_ =	swait.ge [sflag:s7], $0x60  }
0x10: {  	[sflag:s7] =	ssyncset.done $0x0  }
0x11: {  	[sflag:s7] =	ssyncadd.s32 $0xFFFFFFA0  }
0x12: {  	v3 =	vld [tilespmem:$0x0];
	_ =	sdelay $0x4  }
0x13: {  	v4 =	vshll.u32 v3, $0x1  }
0x14: {  	v3 =	vand.u32 $0x7, v3;
	v4 =	vand.u32 $0xFFFFFFF0, v4  }
0x15: {  	v3 =	vor.u32 v3, v4  }
0x16: {  	v4 =	vperm.xlane v3, v0;
	_ =	sdelay $0x1  }
0x17: {  	v3 =	vperm.xlane v3, v2;
	v4 =	vadd.s32 v1, v4;
	_ =	sdelay $0x1  }
0x18: {  	v3 =	vadd.s32 v1, v3;
	_ =	sdelay $0x2  }
0x19: {  	[tilespmem:s8], [sflag:$0x1] =	stream.indirect_vreg.gather [hbm4b:s2+s3], $0x80, v4, vm0, $0xb8;
	[tilespmem:$0x6080] =	vst v63  }
0x1a: {  	_ = 	snop  }
0x1b: {  	[tilespmem:s9], [sflag:$0x1] =	stream.indirect_vreg.gather [hbm4b:s2+s3], $0x80, v3, vm0, $0xb8;
	[tilespmem:$0x6080] =	vst v63  }
0x1c: {  	v3 =	vld [tilespmem:$0x10];
	_ =	sdelay $0x4  }
0x1d: {  	v59 =	vshll.u32 v3, $0x1  }
0x1e: {  	v3 =	vand.u32 $0x7, v3;
	v4 =	vand.u32 $0xFFFFFFF0, v59  }
0x1f: {  	v3 =	vor.u32 v3, v4  }
0x20: {  	v4 =	vperm.xlane v3, v0;
	_ =	sdelay $0x1  }
0x21: {  	v3 =	vperm.xlane v3, v2;
	v4 =	vadd.s32 v1, v4;
	_ =	sdelay $0x1  }
0x22: {  	v3 =	vadd.s32 v1, v3;
	_ =	sdelay $0x2  }
0x23: {  	[tilespmem:s10], [sflag:$0x1] =	stream.indirect_vreg.gather [hbm4b:s2+s3], $0x80, v4, vm0, $0xb8;
	[tilespmem:$0x6080] =	vst v63  }
0x24: {  	_ = 	snop  }
0x25: {  	[tilespmem:s11], [sflag:$0x1] =	stream.indirect_vreg.gather [hbm4b:s2+s3], $0x80, v3, vm0, $0xb8;
	[tilespmem:$0x6080] =	vst v63  }
0x26: {  	v3 =	vld [tilespmem:$0x20];
	_ =	sdelay $0x4  }
0x27: {  	v60 =	vshll.u32 v3, $0x1  }
0x28: {  	v3 =	vand.u32 $0x7, v3;
	v4 =	vand.u32 $0xFFFFFFF0, v60  }
0x29: {  	v3 =	vor.u32 v3, v4  }
0x2a: {  	v4 =	vperm.xlane v3, v0;
	_ =	sdelay $0x1  }
0x2b: {  	v3 =	vperm.xlane v3, v2;
	v4 =	vadd.s32 v1, v4;
	_ =	sdelay $0x1  }
0x2c: {  	v3 =	vadd.s32 v1, v3;
	_ =	sdelay $0x2  }
0x2d: {  	[tilespmem:s12], [sflag:$0x1] =	stream.indirect_vreg.gather [hbm4b:s2+s3], $0x80, v4, vm0, $0xb8;
	[tilespmem:$0x6080] =	vst v63  }
0x2e: {  	_ = 	snop  }
0x2f: {  	[tilespmem:s13], [sflag:$0x1] =	stream.indirect_vreg.gather [hbm4b:s2+s3], $0x80, v3, vm0, $0xb8;
	[tilespmem:$0x6080] =	vst v63  }
0x30: {  	v3 =	vld [tilespmem:$0x30];
	_ =	sdelay $0x4  }
0x31: {  	v61 =	vshll.u32 v3, $0x1  }
0x32: {  	v3 =	vand.u32 $0x7, v3;
	v4 =	vand.u32 $0xFFFFFFF0, v61  }
0x33: {  	v3 =	vor.u32 v3, v4  }
0x34: {  	v4 =	vperm.xlane v3, v0;
	_ =	sdelay $0x1  }
0x35: {  	v3 =	vperm.xlane v3, v2;
	v4 =	vadd.s32 v1, v4;
	_ =	sdelay $0x1  }
0x36: {  	v3 =	vadd.s32 v1, v3;
	_ =	sdelay $0x2  }
0x37: {  	[tilespmem:s14], [sflag:$0x1] =	stream.indirect_vreg.gather [hbm4b:s2+s3], $0x80, v4, vm0, $0xb8;
	[tilespmem:$0x6080] =	vst v63  }
0x38: {  	_ = 	snop  }
0x39: {  	[tilespmem:s15], [sflag:$0x1] =	stream.indirect_vreg.gather [hbm4b:s2+s3], $0x80, v3, vm0, $0xb8;
	[tilespmem:$0x6080] =	vst v63  }
0x3a: {  	v3 =	vld [tilespmem:$0x40];
	_ =	sdelay $0x4  }
0x3b: {  	v62 =	vshll.u32 v3, $0x1  }
0x3c: {  	v3 =	vand.u32 $0x7, v3;
	v4 =	vand.u32 $0xFFFFFFF0, v62  }
0x3d: {  	v3 =	vor.u32 v3, v4  }
0x3e: {  	v4 =	vperm.xlane v3, v0;
	_ =	sdelay $0x1  }
0x3f: {  	v3 =	vperm.xlane v3, v2;
	v4 =	vadd.s32 v1, v4;
	_ =	sdelay $0x1  }
0x40: {  	v3 =	vadd.s32 v1, v3;
	_ =	sdelay $0x2  }
0x41: {  	[tilespmem:s16], [sflag:$0x1] =	stream.indirect_vreg.gather [hbm4b:s2+s3], $0x80, v4, vm0, $0xb8;
	[tilespmem:$0x6080] =	vst v63  }
0x42: {  	_ = 	snop  }
0x43: {  	[tilespmem:s17], [sflag:$0x1] =	stream.indirect_vreg.gather [hbm4b:s2+s3], $0x80, v3, vm0, $0xb8;
	[tilespmem:$0x6080] =	vst v63  }
0x44: {  	v3 =	vld [tilespmem:$0x50];
	_ =	sdelay $0x4  }
0x45: {  	v63 =	vshll.u32 v3, $0x1  }
0x46: {  	v3 =	vand.u32 $0x7, v3;
	v4 =	vand.u32 $0xFFFFFFF0, v63  }
0x47: {  	v3 =	vor.u32 v3, v4  }
0x48: {  	v4 =	vperm.xlane v3, v0;
	_ =	sdelay $0x1  }
0x49: {  	v3 =	vperm.xlane v3, v2;
	v4 =	vadd.s32 v1, v4;
	_ =	sdelay $0x1  }
0x4a: {  	v3 =	vadd.s32 v1, v3;
	_ =	sdelay $0x2  }
0x4b: {  	[tilespmem:s18], [sflag:$0x1] =	stream.indirect_vreg.gather [hbm4b:s2+s3], $0x80, v4, vm0, $0xb8;
	[tilespmem:$0x6080] =	vst v63  }
0x4c: {  	_ = 	snop  }
0x4d: {  	[tilespmem:s19], [sflag:$0x1] =	stream.indirect_vreg.gather [hbm4b:s2+s3], $0x80, v3, vm0, $0xb8;
	[tilespmem:$0x6080] =	vst v63  }
0x4e: {  	_ =	swait.ge [sflag:s20], $0x6000  }
0x4f: {  	p0 =	sne.s32 s6, $0x1;
	[sflag:s20] =	ssyncset.done $0x0  }
.Ltmp0:
0x50: {  	[sflag:s20] =	ssyncadd.s32 $0xFFFFA000;
	(pc) =	sbr.rel @p0 .LBB2_1-.Ltmp0, $4  }
0x51: {  	[hbm4b:s5+s3] =	stream.linear.scatter [tilespmem:s8], [sflag:$0x2], $0x6000, $0x38;
	[tilespmem:$0x6080] =	vst v63  }
0x52: {  	_ =	swait.ge [sflag:s21], $0x6000  }
0x53: {  	[sflag:s21] =	ssyncset.done $0x0  }
0x54: {  	s6 =	sadd.s32 $0xFFFFFFFF, s6;
	[sflag:s21] =	ssyncadd.s32 $0xFFFFA000  }
0x55: {  	_ =	sfence.sel $0x180000  }
0x56: {  	[bflag:$0x0] =	sbarrier.arrive $0xFFFF  }
0x57: {  	p0 =	sne.s32 s0, $0x0;
	_ =	strace $0x90000047  }
0x58: {  	s0 =	sadd.s32 @!p0 $0x100000, s1;
	[bflag:$0x2] =	sbarrier.arrive $0xFFFF  }
0x59: {  	[sflag:s0] =	ssyncadd.tile.s32 @!p0 $0x1;
	_ =	shalt  }
.Lfunc_end2:
_tile_overlayer_lowered:
.L_overlay_start_2:
0x5a: {  	(tag) =	ssettag $0x2  }
0x5b: {  	s0 =	rddreg [dreg:$0x0];
	s2 =	stileid.u32  }
0x5c: {  	s1 =	rddreg [dreg:$0x1];
	p0 =	sne.s32 s2, $0x0  }
0x5d: {  	s3 =	rddreg [dreg:$0x2];
	[bflag:$0x3] =	sbarrier.arrive $0xFFFF;
	s2 =	simm.s32 @!p0 $0x1C03  }
0x5e: {  	[timem:s3], [sflag:s2] =	dma.local @!p0 [hbm:s0], s1  }
0x5f: {  	s0 =	simm.s32 @!p0 $0x3  }
0x60: {  	_ =	swait.ge @!p0 [sflag:s0], s1  }
0x61: {  	s1 =	ssub.s32 @!p0 $0x0, s1;
	[sflag:s0] =	ssyncset.done @!p0 $0x0  }
0x62: {  	[sflag:s0] =	ssyncadd.s32 @!p0 s1  }
0x63: {  	[bflag:$0x3] =	sbarrier.arrive $0xFFFF  }
0x64: {  	_ =	shalt  }

</sc_bundles>
